<compile_context>
chip_gen: v7x
topology: tpu7x:2x2x1
jax: 0.10.2.dev20260603
libtpu: 0.0.44.dev20260713+nightly
codegen_flags: <defaults>
</compile_context>

<pallas_src>
import functools

import jax
import jax.numpy as jnp
from jax import lax
from jax.experimental import pallas as pl
from jax.experimental.pallas import tpu as pltpu
from jax.experimental.pallas import tpu_sc as plsc

N = 10000
E = 320000
D = 128

NC = 2
NS = 16
NW = NC * NS
CPW = D // NW
FL = N * CPW
CH = 6400
L = 16


def _linear_body(f_ref, tw_ref, pw_ref, b_ref, t_ref, a_ref):
    f = f_ref[...]
    t = lax.dot_general(f, tw_ref[...], (((1,), (1,)), ((), ())),
                        preferred_element_type=jnp.float32,
                        precision=lax.Precision.HIGHEST)
    p = lax.dot_general(f, pw_ref[...], (((1,), (1,)), ((), ())),
                        preferred_element_type=jnp.float32,
                        precision=lax.Precision.HIGHEST)
    t_ref[...] = t
    a_ref[...] = t + p + b_ref[...]


def _linear(feat, theta_w, phi_w, bias):
    blk = 400
    return pl.pallas_call(
        _linear_body,
        grid=(N // blk,),
        in_specs=[
            pl.BlockSpec((blk, D), lambda i: (i, 0)),
            pl.BlockSpec((D, D), lambda i: (0, 0)),
            pl.BlockSpec((D, D), lambda i: (0, 0)),
            pl.BlockSpec((1, D), lambda i: (0, 0)),
        ],
        out_specs=[
            pl.BlockSpec((blk, D), lambda i: (i, 0)),
            pl.BlockSpec((blk, D), lambda i: (i, 0)),
        ],
        out_shape=[
            jax.ShapeDtypeStruct((N, D), jnp.float32),
            jax.ShapeDtypeStruct((N, D), jnp.float32),
        ],
    )(feat, theta_w, phi_w, bias)


def _segmin_body(t_hbm, src_hbm, dst_hbm, m_hbm,
                 s0, s1, s2, s3, a0, a1, a2, a3,
                 sbuf0, dbuf0, sbuf1, dbuf1, sem0, sem1):
    wid = lax.axis_index("s") * NC + lax.axis_index("c")
    slabs = [s0, s1, s2, s3]
    accs = [a0, a1, a2, a3]
    for c in range(CPW):
        pltpu.sync_copy(t_hbm.at[wid, c], slabs[c])

    inf16 = jnp.full((L,), jnp.inf, jnp.float32)

    def init(i, carry):
        for c in range(CPW):
            accs[c][pl.ds(i * L, L)] = inf16
        return carry

    lax.fori_loop(0, N // L, init, 0)

    false16 = jnp.zeros((L,), jnp.bool_)

    def start_fetch(ci, sbuf, dbuf, sem):
        off = ci * CH
        pltpu.make_async_copy(src_hbm.at[pl.ds(off, CH)], sbuf, sem).start()
        pltpu.make_async_copy(dst_hbm.at[pl.ds(off, CH)], dbuf, sem).start()

    def wait_fetch(ci, sbuf, dbuf, sem):
        off = ci * CH
        pltpu.make_async_copy(src_hbm.at[pl.ds(off, CH)], sbuf, sem).wait()
        pltpu.make_async_copy(dst_hbm.at[pl.ds(off, CH)], dbuf, sem).wait()

    def process(sbuf, dbuf):

        def group(g, sticky):
            src16 = sbuf[pl.ds(g * L, L)]
            dst16 = dbuf[pl.ds(g * L, L)]
            vals = [plsc.load_gather(slabs[c], [src16]) for c in range(CPW)]
            cur1 = [plsc.load_gather(accs[c], [dst16]) for c in range(CPW)]
            for c in range(CPW):
                plsc.store_scatter(accs[c], [dst16],
                                   jnp.minimum(cur1[c], vals[c]))
            cur2 = [plsc.load_gather(accs[c], [dst16]) for c in range(CPW)]
            for c in range(CPW):
                plsc.store_scatter(accs[c], [dst16],
                                   jnp.minimum(cur2[c], vals[c]),
                                   mask=vals[c] < cur2[c])
            cur3 = [plsc.load_gather(accs[c], [dst16]) for c in range(CPW)]
            for c in range(CPW):
                sticky = sticky | (vals[c] < cur3[c])
            return sticky

        sticky = lax.fori_loop(0, CH // L, group, false16, unroll=2)

        @pl.when(jnp.any(sticky))
        def _():
            def group_exact(g, carry2):
                src16 = sbuf[pl.ds(g * L, L)]
                dst16 = dbuf[pl.ds(g * L, L)]
                vals = [plsc.load_gather(slabs[c], [src16])
                        for c in range(CPW)]
                curs = tuple(plsc.load_gather(accs[c], [dst16])
                             for c in range(CPW))
                pend = functools.reduce(
                    lax.bitwise_or,
                    [v < cu for v, cu in zip(vals, curs)])

                def body(st):
                    pend_i, cur_i = st
                    for c in range(CPW):
                        plsc.store_scatter(accs[c], [dst16],
                                           jnp.minimum(cur_i[c], vals[c]),
                                           mask=pend_i)
                    re = tuple(plsc.load_gather(accs[c], [dst16])
                               for c in range(CPW))
                    ok = functools.reduce(
                        lax.bitwise_and,
                        [r <= v for r, v in zip(re, vals)])
                    return (pend_i & (~ok), re)

                lax.while_loop(lambda st: jnp.any(st[0]), body, (pend, curs))
                return carry2

            lax.fori_loop(0, CH // L, group_exact, 0)

    NCHUNK = E // CH
    start_fetch(0, sbuf0, dbuf0, sem0)

    def superchunk(ck, carry):
        base = 2 * ck
        start_fetch(base + 1, sbuf1, dbuf1, sem1)
        wait_fetch(base, sbuf0, dbuf0, sem0)
        process(sbuf0, dbuf0)

        @pl.when(base + 2 < NCHUNK)
        def _():
            start_fetch(base + 2, sbuf0, dbuf0, sem0)

        wait_fetch(base + 1, sbuf1, dbuf1, sem1)
        process(sbuf1, dbuf1)
        return carry

    lax.fori_loop(0, NCHUNK // 2, superchunk, 0)
    for c in range(CPW):
        pltpu.sync_copy(accs[c], m_hbm.at[wid, c])


_segmin = functools.partial(
    pl.kernel,
    out_type=jax.ShapeDtypeStruct((NW, CPW, N), jnp.float32),
    mesh=plsc.VectorSubcoreMesh(core_axis_name="c", subcore_axis_name="s"),
    compiler_params=pltpu.CompilerParams(needs_layout_passes=False),
    scratch_types=(
        [pltpu.VMEM((N,), jnp.float32) for _ in range(CPW)]
        + [pltpu.VMEM((N,), jnp.float32) for _ in range(CPW)]
        + [pltpu.VMEM((CH,), jnp.int32),
           pltpu.VMEM((CH,), jnp.int32),
           pltpu.VMEM((CH,), jnp.int32),
           pltpu.VMEM((CH,), jnp.int32),
           pltpu.SemaphoreType.DMA,
           pltpu.SemaphoreType.DMA]
    ),
)(_segmin_body)


def _combine_body(a_ref, m_ref, o_ref):
    a = a_ref[...]
    m = m_ref[...]
    o_ref[...] = jnp.where(jnp.isposinf(m), 0.0, a - m)


def _combine(a, m):
    blk = 400
    return pl.pallas_call(
        _combine_body,
        grid=(N // blk,),
        in_specs=[
            pl.BlockSpec((blk, D), lambda i: (i, 0)),
            pl.BlockSpec((blk, D), lambda i: (i, 0)),
        ],
        out_specs=pl.BlockSpec((blk, D), lambda i: (i, 0)),
        out_shape=jax.ShapeDtypeStruct((N, D), jnp.float32),
    )(a, m)


def kernel(feat, edge_index, theta_w, theta_b, phi_w, phi_b):
    src = edge_index[0]
    dst = edge_index[1]
    bias = (theta_b + phi_b).reshape(1, D)
    t, a = _linear(feat, theta_w, phi_w, bias)
    t32 = t.transpose(1, 0).reshape(NW, CPW, N)
    m32 = _segmin(t32, src, dst)
    m = m32.reshape(D, N).transpose(1, 0)
    return _combine(a, m)

# --- scband reference (transcript-rebuilt; emitter-appended) ---
"""Pipeline reference for scband-edge-conv-dgl-67508295958885 (READ-ONLY COPY).

The authoritative reference and input builder live on the scoring server;
editing this copy changes nothing except your own understanding.
"""

import jax, jax.numpy as jnp
import numpy as np

N = 10000
E = 320000
D_IN = 128
D_OUT = 128


def setup_inputs(seed: int = 0) -> dict:
    key = jax.random.key(seed)
    k1, k2, k3, k4, k5, k6 = jax.random.split(key, 6)
    feat = jax.random.normal(k1, (N, D_IN), dtype=jnp.float32)
    edge_index = jax.random.randint(k2, (2, E), 0, N, dtype=jnp.int32)
    scale_in = 1.0 / np.sqrt(D_IN)
    theta_w = jax.random.uniform(k3, (D_OUT, D_IN), dtype=jnp.float32, minval=-scale_in, maxval=scale_in)
    theta_b = jax.random.uniform(k4, (D_OUT,), dtype=jnp.float32, minval=-scale_in, maxval=scale_in)
    phi_w = jax.random.uniform(k5, (D_OUT, D_IN), dtype=jnp.float32, minval=-scale_in, maxval=scale_in)
    phi_b = jax.random.uniform(k6, (D_OUT,), dtype=jnp.float32, minval=-scale_in, maxval=scale_in)
    return {"feat": feat, "edge_index": edge_index, "theta_w": theta_w, "theta_b": theta_b, "phi_w": phi_w, "phi_b": phi_b}


def reference(feat, edge_index, theta_w, theta_b, phi_w, phi_b):
    # EdgeConv (DGL semantics):
    #   theta_e = theta(x_dst - x_src)           per edge
    #   phi_v   = phi(x_dst)                     per node
    #   msg_e   = theta_e + phi_v[dst]           per edge (e_add_v)
    #   out_v   = max over incoming edges of msg_e (fn.max reduce)
    src = edge_index[0]
    dst = edge_index[1]
    diff = jnp.take(feat, dst, axis=0) - jnp.take(feat, src, axis=0)
    theta_e = diff @ theta_w.T + theta_b
    phi_v = feat @ phi_w.T + phi_b
    msg = theta_e + jnp.take(phi_v, dst, axis=0)
    out = jax.ops.segment_max(msg, dst, num_segments=N)
    # zero-in-degree nodes: DGL initializes reduced field to zeros
    out = jnp.where(jnp.isneginf(out), 0.0, out)
    return out

if __name__ == "__main__":
    import jax
    _d = setup_inputs()
    print(jax.jit(kernel)(*tuple(_d.values())))

</pallas_src>

<mosaic_0001>
#map = affine_map<(d0, d1) -> (0, 0, 0)>
#map1 = affine_map<(d0, d1) -> (0)>
module attributes {stable_mosaic.version = 14 : i64} {
  func.func @_segmin_body(%arg0: i32, %arg1: i32, %arg2: memref<32x4x10000xf32, #tpu.memory_space<hbm>>, %arg3: memref<320000xi32, #tpu.memory_space<hbm>>, %arg4: memref<320000xi32, #tpu.memory_space<hbm>>, %arg5: memref<32x4x10000xf32, #tpu.memory_space<hbm>>, %arg6: memref<10000xf32, #tpu.memory_space<vmem>>, %arg7: memref<10000xf32, #tpu.memory_space<vmem>>, %arg8: memref<10000xf32, #tpu.memory_space<vmem>>, %arg9: memref<10000xf32, #tpu.memory_space<vmem>>, %arg10: memref<10000xf32, #tpu.memory_space<vmem>>, %arg11: memref<10000xf32, #tpu.memory_space<vmem>>, %arg12: memref<10000xf32, #tpu.memory_space<vmem>>, %arg13: memref<10000xf32, #tpu.memory_space<vmem>>, %arg14: memref<6400xi32, #tpu.memory_space<vmem>>, %arg15: memref<6400xi32, #tpu.memory_space<vmem>>, %arg16: memref<6400xi32, #tpu.memory_space<vmem>>, %arg17: memref<6400xi32, #tpu.memory_space<vmem>>, %arg18: memref<!tpu.dma_semaphore, #tpu.memory_space<semaphore_mem>>, %arg19: memref<!tpu.dma_semaphore, #tpu.memory_space<semaphore_mem>>) attributes {dimension_semantics = [#tpu.dimension_semantics<core_parallel>, #tpu.dimension_semantics<subcore_parallel>], iteration_bounds = array<i64: 2, 16>, scalar_prefetch = 0 : i64, scratch_operands = 14 : i64, tpu.core_type = #tpu.core_type<sc_vector_subcore>, window_params = [{transform_indices = #map}, {transform_indices = #map1}, {transform_indices = #map1}, {transform_indices = #map}]} {
    %mul3A = arith.constant 2 : i32
    %mul3A_0 = arith.muli %arg1, %mul3A : i32
    %add3A = arith.addi %mul3A_0, %arg0 : i32
    %run_scoped3A = arith.constant 0 : i32
    "tpu.region"() ({
      %run_scoped3A_29 = tpu.sem_alloc : memref<!tpu.dma_semaphore, #tpu.memory_space<semaphore_mem>>
      %dma_start3A_30 = arith.constant 0 : i32
      %dma_start3A_31 = tpu.memref_slice %arg2[%add3A, %run_scoped3A, %dma_start3A_30] : memref<32x4x10000xf32, #tpu.memory_space<hbm>> -> memref<1x1x10000xf32, #tpu.memory_space<hbm>>
      %dma_start3A_32 = tpu.memref_squeeze %dma_start3A_31 : memref<1x1x10000xf32, #tpu.memory_space<hbm>> -> memref<10000xf32, #tpu.memory_space<hbm>>
      %dma_start3A_33 = arith.constant 0 : i32
      %dma_start3A_34 = tpu.memref_slice %arg2[%add3A, %run_scoped3A, %dma_start3A_33] : memref<32x4x10000xf32, #tpu.memory_space<hbm>> -> memref<1x1x10000xf32, #tpu.memory_space<hbm>>
      %dma_start3A_35 = tpu.memref_squeeze %dma_start3A_34 : memref<1x1x10000xf32, #tpu.memory_space<hbm>> -> memref<10000xf32, #tpu.memory_space<hbm>>
      tpu.enqueue_dma source(%dma_start3A_35 : memref<10000xf32, #tpu.memory_space<hbm>>) target(%arg6 : memref<10000xf32, #tpu.memory_space<vmem>>) target_semaphore(%run_scoped3A_29 : memref<!tpu.dma_semaphore, #tpu.memory_space<semaphore_mem>>)
      %dma_wait3A = arith.constant 0 : i32
      %dma_wait3A_36 = tpu.memref_slice %arg2[%add3A, %run_scoped3A, %dma_wait3A] : memref<32x4x10000xf32, #tpu.memory_space<hbm>> -> memref<1x1x10000xf32, #tpu.memory_space<hbm>>
      %dma_wait3A_37 = tpu.memref_squeeze %dma_wait3A_36 : memref<1x1x10000xf32, #tpu.memory_space<hbm>> -> memref<10000xf32, #tpu.memory_space<hbm>>
      %dma_wait3A_38 = arith.constant 0 : i32
      %dma_wait3A_39 = tpu.memref_slice %arg2[%add3A, %run_scoped3A, %dma_wait3A_38] : memref<32x4x10000xf32, #tpu.memory_space<hbm>> -> memref<1x1x10000xf32, #tpu.memory_space<hbm>>
      %dma_wait3A_40 = tpu.memref_squeeze %dma_wait3A_39 : memref<1x1x10000xf32, #tpu.memory_space<hbm>> -> memref<10000xf32, #tpu.memory_space<hbm>>
      tpu.wait_dma2 semaphore(%run_scoped3A_29 : memref<!tpu.dma_semaphore, #tpu.memory_space<semaphore_mem>>) src(%dma_wait3A_40 : memref<10000xf32, #tpu.memory_space<hbm>>) dst(%arg6 : memref<10000xf32, #tpu.memory_space<vmem>>)
      tpu.yield
    }) : () -> ()
    %run_scoped3A_1 = arith.constant 1 : i32
    "tpu.region"() ({
      %run_scoped3A_29 = tpu.sem_alloc : memref<!tpu.dma_semaphore, #tpu.memory_space<semaphore_mem>>
      %dma_start3A_30 = arith.constant 0 : i32
      %dma_start3A_31 = tpu.memref_slice %arg2[%add3A, %run_scoped3A_1, %dma_start3A_30] : memref<32x4x10000xf32, #tpu.memory_space<hbm>> -> memref<1x1x10000xf32, #tpu.memory_space<hbm>>
      %dma_start3A_32 = tpu.memref_squeeze %dma_start3A_31 : memref<1x1x10000xf32, #tpu.memory_space<hbm>> -> memref<10000xf32, #tpu.memory_space<hbm>>
      %dma_start3A_33 = arith.constant 0 : i32
      %dma_start3A_34 = tpu.memref_slice %arg2[%add3A, %run_scoped3A_1, %dma_start3A_33] : memref<32x4x10000xf32, #tpu.memory_space<hbm>> -> memref<1x1x10000xf32, #tpu.memory_space<hbm>>
      %dma_start3A_35 = tpu.memref_squeeze %dma_start3A_34 : memref<1x1x10000xf32, #tpu.memory_space<hbm>> -> memref<10000xf32, #tpu.memory_space<hbm>>
      tpu.enqueue_dma source(%dma_start3A_35 : memref<10000xf32, #tpu.memory_space<hbm>>) target(%arg7 : memref<10000xf32, #tpu.memory_space<vmem>>) target_semaphore(%run_scoped3A_29 : memref<!tpu.dma_semaphore, #tpu.memory_space<semaphore_mem>>)
      %dma_wait3A = arith.constant 0 : i32
      %dma_wait3A_36 = tpu.memref_slice %arg2[%add3A, %run_scoped3A_1, %dma_wait3A] : memref<32x4x10000xf32, #tpu.memory_space<hbm>> -> memref<1x1x10000xf32, #tpu.memory_space<hbm>>
      %dma_wait3A_37 = tpu.memref_squeeze %dma_wait3A_36 : memref<1x1x10000xf32, #tpu.memory_space<hbm>> -> memref<10000xf32, #tpu.memory_space<hbm>>
      %dma_wait3A_38 = arith.constant 0 : i32
      %dma_wait3A_39 = tpu.memref_slice %arg2[%add3A, %run_scoped3A_1, %dma_wait3A_38] : memref<32x4x10000xf32, #tpu.memory_space<hbm>> -> memref<1x1x10000xf32, #tpu.memory_space<hbm>>
      %dma_wait3A_40 = tpu.memref_squeeze %dma_wait3A_39 : memref<1x1x10000xf32, #tpu.memory_space<hbm>> -> memref<10000xf32, #tpu.memory_space<hbm>>
      tpu.wait_dma2 semaphore(%run_scoped3A_29 : memref<!tpu.dma_semaphore, #tpu.memory_space<semaphore_mem>>) src(%dma_wait3A_40 : memref<10000xf32, #tpu.memory_space<hbm>>) dst(%arg7 : memref<10000xf32, #tpu.memory_space<vmem>>)
      tpu.yield
    }) : () -> ()
    %run_scoped3A_2 = arith.constant 2 : i32
    "tpu.region"() ({
      %run_scoped3A_29 = tpu.sem_alloc : memref<!tpu.dma_semaphore, #tpu.memory_space<semaphore_mem>>
      %dma_start3A_30 = arith.constant 0 : i32
      %dma_start3A_31 = tpu.memref_slice %arg2[%add3A, %run_scoped3A_2, %dma_start3A_30] : memref<32x4x10000xf32, #tpu.memory_space<hbm>> -> memref<1x1x10000xf32, #tpu.memory_space<hbm>>
      %dma_start3A_32 = tpu.memref_squeeze %dma_start3A_31 : memref<1x1x10000xf32, #tpu.memory_space<hbm>> -> memref<10000xf32, #tpu.memory_space<hbm>>
      %dma_start3A_33 = arith.constant 0 : i32
      %dma_start3A_34 = tpu.memref_slice %arg2[%add3A, %run_scoped3A_2, %dma_start3A_33] : memref<32x4x10000xf32, #tpu.memory_space<hbm>> -> memref<1x1x10000xf32, #tpu.memory_space<hbm>>
      %dma_start3A_35 = tpu.memref_squeeze %dma_start3A_34 : memref<1x1x10000xf32, #tpu.memory_space<hbm>> -> memref<10000xf32, #tpu.memory_space<hbm>>
      tpu.enqueue_dma source(%dma_start3A_35 : memref<10000xf32, #tpu.memory_space<hbm>>) target(%arg8 : memref<10000xf32, #tpu.memory_space<vmem>>) target_semaphore(%run_scoped3A_29 : memref<!tpu.dma_semaphore, #tpu.memory_space<semaphore_mem>>)
      %dma_wait3A = arith.constant 0 : i32
      %dma_wait3A_36 = tpu.memref_slice %arg2[%add3A, %run_scoped3A_2, %dma_wait3A] : memref<32x4x10000xf32, #tpu.memory_space<hbm>> -> memref<1x1x10000xf32, #tpu.memory_space<hbm>>
      %dma_wait3A_37 = tpu.memref_squeeze %dma_wait3A_36 : memref<1x1x10000xf32, #tpu.memory_space<hbm>> -> memref<10000xf32, #tpu.memory_space<hbm>>
      %dma_wait3A_38 = arith.constant 0 : i32
      %dma_wait3A_39 = tpu.memref_slice %arg2[%add3A, %run_scoped3A_2, %dma_wait3A_38] : memref<32x4x10000xf32, #tpu.memory_space<hbm>> -> memref<1x1x10000xf32, #tpu.memory_space<hbm>>
      %dma_wait3A_40 = tpu.memref_squeeze %dma_wait3A_39 : memref<1x1x10000xf32, #tpu.memory_space<hbm>> -> memref<10000xf32, #tpu.memory_space<hbm>>
      tpu.wait_dma2 semaphore(%run_scoped3A_29 : memref<!tpu.dma_semaphore, #tpu.memory_space<semaphore_mem>>) src(%dma_wait3A_40 : memref<10000xf32, #tpu.memory_space<hbm>>) dst(%arg8 : memref<10000xf32, #tpu.memory_space<vmem>>)
      tpu.yield
    }) : () -> ()
    %run_scoped3A_3 = arith.constant 3 : i32
    "tpu.region"() ({
      %run_scoped3A_29 = tpu.sem_alloc : memref<!tpu.dma_semaphore, #tpu.memory_space<semaphore_mem>>
      %dma_start3A_30 = arith.constant 0 : i32
      %dma_start3A_31 = tpu.memref_slice %arg2[%add3A, %run_scoped3A_3, %dma_start3A_30] : memref<32x4x10000xf32, #tpu.memory_space<hbm>> -> memref<1x1x10000xf32, #tpu.memory_space<hbm>>
      %dma_start3A_32 = tpu.memref_squeeze %dma_start3A_31 : memref<1x1x10000xf32, #tpu.memory_space<hbm>> -> memref<10000xf32, #tpu.memory_space<hbm>>
      %dma_start3A_33 = arith.constant 0 : i32
      %dma_start3A_34 = tpu.memref_slice %arg2[%add3A, %run_scoped3A_3, %dma_start3A_33] : memref<32x4x10000xf32, #tpu.memory_space<hbm>> -> memref<1x1x10000xf32, #tpu.memory_space<hbm>>
      %dma_start3A_35 = tpu.memref_squeeze %dma_start3A_34 : memref<1x1x10000xf32, #tpu.memory_space<hbm>> -> memref<10000xf32, #tpu.memory_space<hbm>>
      tpu.enqueue_dma source(%dma_start3A_35 : memref<10000xf32, #tpu.memory_space<hbm>>) target(%arg9 : memref<10000xf32, #tpu.memory_space<vmem>>) target_semaphore(%run_scoped3A_29 : memref<!tpu.dma_semaphore, #tpu.memory_space<semaphore_mem>>)
      %dma_wait3A = arith.constant 0 : i32
      %dma_wait3A_36 = tpu.memref_slice %arg2[%add3A, %run_scoped3A_3, %dma_wait3A] : memref<32x4x10000xf32, #tpu.memory_space<hbm>> -> memref<1x1x10000xf32, #tpu.memory_space<hbm>>
      %dma_wait3A_37 = tpu.memref_squeeze %dma_wait3A_36 : memref<1x1x10000xf32, #tpu.memory_space<hbm>> -> memref<10000xf32, #tpu.memory_space<hbm>>
      %dma_wait3A_38 = arith.constant 0 : i32
      %dma_wait3A_39 = tpu.memref_slice %arg2[%add3A, %run_scoped3A_3, %dma_wait3A_38] : memref<32x4x10000xf32, #tpu.memory_space<hbm>> -> memref<1x1x10000xf32, #tpu.memory_space<hbm>>
      %dma_wait3A_40 = tpu.memref_squeeze %dma_wait3A_39 : memref<1x1x10000xf32, #tpu.memory_space<hbm>> -> memref<10000xf32, #tpu.memory_space<hbm>>
      tpu.wait_dma2 semaphore(%run_scoped3A_29 : memref<!tpu.dma_semaphore, #tpu.memory_space<semaphore_mem>>) src(%dma_wait3A_40 : memref<10000xf32, #tpu.memory_space<hbm>>) dst(%arg9 : memref<10000xf32, #tpu.memory_space<vmem>>)
      tpu.yield
    }) : () -> ()
    %broadcast_in_dim3A = arith.constant 0x7F800000 : f32
    %broadcast_in_dim3A_4 = vector.broadcast %broadcast_in_dim3A : f32 to vector<16xf32>
    %scan3A = arith.constant 0 : i32
    %scan3A_5 = arith.constant 0 : i32
    %scan3A_6 = arith.constant 625 : i32
    %scan3A_7 = arith.addi %scan3A_5, %scan3A_6 : i32
    %scan3A_8 = arith.constant 1 : i32
    scf.for %scan3A_29 = %scan3A_5 to %scan3A_7 step %scan3A_8  : i32 {
      %mul3A_30 = arith.constant 16 : i32
      %mul3A_31 = arith.muli %scan3A_29, %mul3A_30 : i32
      %swap3A = arith.index_cast %mul3A_31 : i32 to index
      %swap3A_32 = tpu.vector_load %arg10[%swap3A] {strides = array<i32>} : memref<10000xf32, #tpu.memory_space<vmem>>, vector<16xf32>,
      tpu.vector_store %arg10[%swap3A], %broadcast_in_dim3A_4 {strides = array<i32>} : memref<10000xf32, #tpu.memory_space<vmem>>, vector<16xf32>,
      %mul3A_33 = arith.constant 16 : i32
      %mul3A_34 = arith.muli %scan3A_29, %mul3A_33 : i32
      %swap3A_35 = arith.index_cast %mul3A_34 : i32 to index
      %swap3A_36 = tpu.vector_load %arg11[%swap3A_35] {strides = array<i32>} : memref<10000xf32, #tpu.memory_space<vmem>>, vector<16xf32>,
      tpu.vector_store %arg11[%swap3A_35], %broadcast_in_dim3A_4 {strides = array<i32>} : memref<10000xf32, #tpu.memory_space<vmem>>, vector<16xf32>,
      %mul3A_37 = arith.constant 16 : i32
      %mul3A_38 = arith.muli %scan3A_29, %mul3A_37 : i32
      %swap3A_39 = arith.index_cast %mul3A_38 : i32 to index
      %swap3A_40 = tpu.vector_load %arg12[%swap3A_39] {strides = array<i32>} : memref<10000xf32, #tpu.memory_space<vmem>>, vector<16xf32>,
      tpu.vector_store %arg12[%swap3A_39], %broadcast_in_dim3A_4 {strides = array<i32>} : memref<10000xf32, #tpu.memory_space<vmem>>, vector<16xf32>,
      %mul3A_41 = arith.constant 16 : i32
      %mul3A_42 = arith.muli %scan3A_29, %mul3A_41 : i32
      %swap3A_43 = arith.index_cast %mul3A_42 : i32 to index
      %swap3A_44 = tpu.vector_load %arg13[%swap3A_43] {strides = array<i32>} : memref<10000xf32, #tpu.memory_space<vmem>>, vector<16xf32>,
      tpu.vector_store %arg13[%swap3A_43], %broadcast_in_dim3A_4 {strides = array<i32>} : memref<10000xf32, #tpu.memory_space<vmem>>, vector<16xf32>,
    }
    %scan3A_9 = arith.constant 625 : i32
    %broadcast_in_dim3A_10 = arith.constant false
    %broadcast_in_dim3A_11 = vector.broadcast %broadcast_in_dim3A_10 : i1 to vector<16xi1>
    %dma_start3A = arith.constant 0 : i32
    %dma_start3A_12 = tpu.memref_slice %arg3[%dma_start3A] : memref<320000xi32, #tpu.memory_space<hbm>> -> memref<6400xi32, #tpu.memory_space<hbm>>
    %dma_start3A_13 = arith.constant 0 : i32
    %dma_start3A_14 = tpu.memref_slice %arg3[%dma_start3A_13] : memref<320000xi32, #tpu.memory_space<hbm>> -> memref<6400xi32, #tpu.memory_space<hbm>>
    tpu.enqueue_dma source(%dma_start3A_14 : memref<6400xi32, #tpu.memory_space<hbm>>) target(%arg14 : memref<6400xi32, #tpu.memory_space<vmem>>) target_semaphore(%arg18 : memref<!tpu.dma_semaphore, #tpu.memory_space<semaphore_mem>>)
    %dma_start3A_15 = arith.constant 0 : i32
    %dma_start3A_16 = tpu.memref_slice %arg4[%dma_start3A_15] : memref<320000xi32, #tpu.memory_space<hbm>> -> memref<6400xi32, #tpu.memory_space<hbm>>
    %dma_start3A_17 = arith.constant 0 : i32
    %dma_start3A_18 = tpu.memref_slice %arg4[%dma_start3A_17] : memref<320000xi32, #tpu.memory_space<hbm>> -> memref<6400xi32, #tpu.memory_space<hbm>>
    tpu.enqueue_dma source(%dma_start3A_18 : memref<6400xi32, #tpu.memory_space<hbm>>) target(%arg15 : memref<6400xi32, #tpu.memory_space<vmem>>) target_semaphore(%arg18 : memref<!tpu.dma_semaphore, #tpu.memory_space<semaphore_mem>>)
    %scan3A_19 = arith.constant 0 : i32
    %scan3A_20 = arith.constant 0 : i32
    %scan3A_21 = arith.constant 25 : i32
    %scan3A_22 = arith.addi %scan3A_20, %scan3A_21 : i32
    %scan3A_23 = arith.constant 1 : i32
    scf.for %scan3A_29 = %scan3A_20 to %scan3A_22 step %scan3A_23  : i32 {
      %mul3A_30 = arith.constant 2 : i32
      %mul3A_31 = arith.muli %mul3A_30, %scan3A_29 : i32
      %add3A_32 = arith.constant 1 : i32
      %add3A_33 = arith.addi %mul3A_31, %add3A_32 : i32
      %mul3A_34 = arith.constant 6400 : i32
      %mul3A_35 = arith.muli %add3A_33, %mul3A_34 : i32
      %dma_start3A_36 = tpu.memref_slice %arg3[%mul3A_35] : memref<320000xi32, #tpu.memory_space<hbm>> -> memref<6400xi32, #tpu.memory_space<hbm>>
      %dma_start3A_37 = tpu.memref_slice %arg3[%mul3A_35] : memref<320000xi32, #tpu.memory_space<hbm>> -> memref<6400xi32, #tpu.memory_space<hbm>>
      tpu.enqueue_dma source(%dma_start3A_37 : memref<6400xi32, #tpu.memory_space<hbm>>) target(%arg16 : memref<6400xi32, #tpu.memory_space<vmem>>) target_semaphore(%arg19 : memref<!tpu.dma_semaphore, #tpu.memory_space<semaphore_mem>>)
      %dma_start3A_38 = tpu.memref_slice %arg4[%mul3A_35] : memref<320000xi32, #tpu.memory_space<hbm>> -> memref<6400xi32, #tpu.memory_space<hbm>>
      %dma_start3A_39 = tpu.memref_slice %arg4[%mul3A_35] : memref<320000xi32, #tpu.memory_space<hbm>> -> memref<6400xi32, #tpu.memory_space<hbm>>
      tpu.enqueue_dma source(%dma_start3A_39 : memref<6400xi32, #tpu.memory_space<hbm>>) target(%arg17 : memref<6400xi32, #tpu.memory_space<vmem>>) target_semaphore(%arg19 : memref<!tpu.dma_semaphore, #tpu.memory_space<semaphore_mem>>)
      %mul3A_40 = arith.constant 6400 : i32
      %mul3A_41 = arith.muli %mul3A_31, %mul3A_40 : i32
      %dma_wait3A = tpu.memref_slice %arg3[%mul3A_41] : memref<320000xi32, #tpu.memory_space<hbm>> -> memref<6400xi32, #tpu.memory_space<hbm>>
      %dma_wait3A_42 = tpu.memref_slice %arg3[%mul3A_41] : memref<320000xi32, #tpu.memory_space<hbm>> -> memref<6400xi32, #tpu.memory_space<hbm>>
      tpu.wait_dma2 semaphore(%arg18 : memref<!tpu.dma_semaphore, #tpu.memory_space<semaphore_mem>>) src(%dma_wait3A_42 : memref<6400xi32, #tpu.memory_space<hbm>>) dst(%arg14 : memref<6400xi32, #tpu.memory_space<vmem>>)
      %dma_wait3A_43 = tpu.memref_slice %arg4[%mul3A_41] : memref<320000xi32, #tpu.memory_space<hbm>> -> memref<6400xi32, #tpu.memory_space<hbm>>
      %dma_wait3A_44 = tpu.memref_slice %arg4[%mul3A_41] : memref<320000xi32, #tpu.memory_space<hbm>> -> memref<6400xi32, #tpu.memory_space<hbm>>
      tpu.wait_dma2 semaphore(%arg18 : memref<!tpu.dma_semaphore, #tpu.memory_space<semaphore_mem>>) src(%dma_wait3A_44 : memref<6400xi32, #tpu.memory_space<hbm>>) dst(%arg15 : memref<6400xi32, #tpu.memory_space<vmem>>)
      %scan3A_45 = arith.constant 0 : i32
      %scan3A_46 = arith.constant 400 : i32
      %scan3A_47 = arith.addi %scan3A_45, %scan3A_46 : i32
      %scan3A_48 = arith.constant 2 : i32
      %scan3A_49 = scf.for %scan3A_96 = %scan3A_45 to %scan3A_47 step %scan3A_48 iter_args(%scan3A_97 = %broadcast_in_dim3A_11) -> (vector<16xi1>)  : i32 {
        %mul3A_98 = arith.constant 16 : i32
        %mul3A_99 = arith.muli %scan3A_96, %mul3A_98 : i32
        %get3A = arith.index_cast %mul3A_99 : i32 to index
        %get3A_100 = tpu.vector_load %arg14[%get3A] {strides = array<i32>} : memref<6400xi32, #tpu.memory_space<vmem>>, vector<16xi32>,
        %mul3A_101 = arith.constant 16 : i32
        %mul3A_102 = arith.muli %scan3A_96, %mul3A_101 : i32
        %get3A_103 = arith.index_cast %mul3A_102 : i32 to index
        %get3A_104 = tpu.vector_load %arg15[%get3A_103] {strides = array<i32>} : memref<6400xi32, #tpu.memory_space<vmem>>, vector<16xi32>,
        %gather3A = tpu.vector_load_idx %arg6[%get3A_100] : memref<10000xf32, #tpu.memory_space<vmem>>[vector<16xi32>], vector<16xf32>,
        %gather3A_105 = tpu.vector_load_idx %arg7[%get3A_100] : memref<10000xf32, #tpu.memory_space<vmem>>[vector<16xi32>], vector<16xf32>,
        %gather3A_106 = tpu.vector_load_idx %arg8[%get3A_100] : memref<10000xf32, #tpu.memory_space<vmem>>[vector<16xi32>], vector<16xf32>,
        %gather3A_107 = tpu.vector_load_idx %arg9[%get3A_100] : memref<10000xf32, #tpu.memory_space<vmem>>[vector<16xi32>], vector<16xf32>,
        %gather3A_108 = tpu.vector_load_idx %arg10[%get3A_104] : memref<10000xf32, #tpu.memory_space<vmem>>[vector<16xi32>], vector<16xf32>,
        %gather3A_109 = tpu.vector_load_idx %arg11[%get3A_104] : memref<10000xf32, #tpu.memory_space<vmem>>[vector<16xi32>], vector<16xf32>,
        %gather3A_110 = tpu.vector_load_idx %arg12[%get3A_104] : memref<10000xf32, #tpu.memory_space<vmem>>[vector<16xi32>], vector<16xf32>,
        %gather3A_111 = tpu.vector_load_idx %arg13[%get3A_104] : memref<10000xf32, #tpu.memory_space<vmem>>[vector<16xi32>], vector<16xf32>,
        %min3A = arith.minimumf %gather3A_108, %gather3A : vector<16xf32>
        tpu.vector_store_idx %arg10[%get3A_104], %min3A : memref<10000xf32, #tpu.memory_space<vmem>>[vector<16xi32>], vector<16xf32>,
        %min3A_112 = arith.minimumf %gather3A_109, %gather3A_105 : vector<16xf32>
        tpu.vector_store_idx %arg11[%get3A_104], %min3A_112 : memref<10000xf32, #tpu.memory_space<vmem>>[vector<16xi32>], vector<16xf32>,
        %min3A_113 = arith.minimumf %gather3A_110, %gather3A_106 : vector<16xf32>
        tpu.vector_store_idx %arg12[%get3A_104], %min3A_113 : memref<10000xf32, #tpu.memory_space<vmem>>[vector<16xi32>], vector<16xf32>,
        %min3A_114 = arith.minimumf %gather3A_111, %gather3A_107 : vector<16xf32>
        tpu.vector_store_idx %arg13[%get3A_104], %min3A_114 : memref<10000xf32, #tpu.memory_space<vmem>>[vector<16xi32>], vector<16xf32>,
        %gather3A_115 = tpu.vector_load_idx %arg10[%get3A_104] : memref<10000xf32, #tpu.memory_space<vmem>>[vector<16xi32>], vector<16xf32>,
        %gather3A_116 = tpu.vector_load_idx %arg11[%get3A_104] : memref<10000xf32, #tpu.memory_space<vmem>>[vector<16xi32>], vector<16xf32>,
        %gather3A_117 = tpu.vector_load_idx %arg12[%get3A_104] : memref<10000xf32, #tpu.memory_space<vmem>>[vector<16xi32>], vector<16xf32>,
        %gather3A_118 = tpu.vector_load_idx %arg13[%get3A_104] : memref<10000xf32, #tpu.memory_space<vmem>>[vector<16xi32>], vector<16xf32>,
        %min3A_119 = arith.minimumf %gather3A_115, %gather3A : vector<16xf32>
        %lt3A_120 = arith.cmpf olt, %gather3A, %gather3A_115 : vector<16xf32>
        tpu.vector_store_idx %arg10[%get3A_104], %min3A_119 masked %lt3A_120 : memref<10000xf32, #tpu.memory_space<vmem>>[vector<16xi32>], vector<16xf32>, vector<16xi1>
        %min3A_121 = arith.minimumf %gather3A_116, %gather3A_105 : vector<16xf32>
        %lt3A_122 = arith.cmpf olt, %gather3A_105, %gather3A_116 : vector<16xf32>
        tpu.vector_store_idx %arg11[%get3A_104], %min3A_121 masked %lt3A_122 : memref<10000xf32, #tpu.memory_space<vmem>>[vector<16xi32>], vector<16xf32>, vector<16xi1>
        %min3A_123 = arith.minimumf %gather3A_117, %gather3A_106 : vector<16xf32>
        %lt3A_124 = arith.cmpf olt, %gather3A_106, %gather3A_117 : vector<16xf32>
        tpu.vector_store_idx %arg12[%get3A_104], %min3A_123 masked %lt3A_124 : memref<10000xf32, #tpu.memory_space<vmem>>[vector<16xi32>], vector<16xf32>, vector<16xi1>
        %min3A_125 = arith.minimumf %gather3A_118, %gather3A_107 : vector<16xf32>
        %lt3A_126 = arith.cmpf olt, %gather3A_107, %gather3A_118 : vector<16xf32>
        tpu.vector_store_idx %arg13[%get3A_104], %min3A_125 masked %lt3A_126 : memref<10000xf32, #tpu.memory_space<vmem>>[vector<16xi32>], vector<16xf32>, vector<16xi1>
        %gather3A_127 = tpu.vector_load_idx %arg10[%get3A_104] : memref<10000xf32, #tpu.memory_space<vmem>>[vector<16xi32>], vector<16xf32>,
        %gather3A_128 = tpu.vector_load_idx %arg11[%get3A_104] : memref<10000xf32, #tpu.memory_space<vmem>>[vector<16xi32>], vector<16xf32>,
        %gather3A_129 = tpu.vector_load_idx %arg12[%get3A_104] : memref<10000xf32, #tpu.memory_space<vmem>>[vector<16xi32>], vector<16xf32>,
        %gather3A_130 = tpu.vector_load_idx %arg13[%get3A_104] : memref<10000xf32, #tpu.memory_space<vmem>>[vector<16xi32>], vector<16xf32>,
        %lt3A_131 = arith.cmpf olt, %gather3A, %gather3A_127 : vector<16xf32>
        %or3A = arith.ori %scan3A_97, %lt3A_131 : vector<16xi1>
        %lt3A_132 = arith.cmpf olt, %gather3A_105, %gather3A_128 : vector<16xf32>
        %or3A_133 = arith.ori %or3A, %lt3A_132 : vector<16xi1>
        %lt3A_134 = arith.cmpf olt, %gather3A_106, %gather3A_129 : vector<16xf32>
        %or3A_135 = arith.ori %or3A_133, %lt3A_134 : vector<16xi1>
        %lt3A_136 = arith.cmpf olt, %gather3A_107, %gather3A_130 : vector<16xf32>
        %or3A_137 = arith.ori %or3A_135, %lt3A_136 : vector<16xi1>
        %scan3A_138 = arith.constant 1 : i32
        %scan3A_139 = arith.addi %scan3A_96, %scan3A_138 : i32
        %mul3A_140 = arith.constant 16 : i32
        %mul3A_141 = arith.muli %scan3A_139, %mul3A_140 : i32
        %get3A_142 = arith.index_cast %mul3A_141 : i32 to index
        %get3A_143 = tpu.vector_load %arg14[%get3A_142] {strides = array<i32>} : memref<6400xi32, #tpu.memory_space<vmem>>, vector<16xi32>,
        %mul3A_144 = arith.constant 16 : i32
        %mul3A_145 = arith.muli %scan3A_139, %mul3A_144 : i32
        %get3A_146 = arith.index_cast %mul3A_145 : i32 to index
        %get3A_147 = tpu.vector_load %arg15[%get3A_146] {strides = array<i32>} : memref<6400xi32, #tpu.memory_space<vmem>>, vector<16xi32>,
        %gather3A_148 = tpu.vector_load_idx %arg6[%get3A_143] : memref<10000xf32, #tpu.memory_space<vmem>>[vector<16xi32>], vector<16xf32>,
        %gather3A_149 = tpu.vector_load_idx %arg7[%get3A_143] : memref<10000xf32, #tpu.memory_space<vmem>>[vector<16xi32>], vector<16xf32>,
        %gather3A_150 = tpu.vector_load_idx %arg8[%get3A_143] : memref<10000xf32, #tpu.memory_space<vmem>>[vector<16xi32>], vector<16xf32>,
        %gather3A_151 = tpu.vector_load_idx %arg9[%get3A_143] : memref<10000xf32, #tpu.memory_space<vmem>>[vector<16xi32>], vector<16xf32>,
        %gather3A_152 = tpu.vector_load_idx %arg10[%get3A_147] : memref<10000xf32, #tpu.memory_space<vmem>>[vector<16xi32>], vector<16xf32>,
        %gather3A_153 = tpu.vector_load_idx %arg11[%get3A_147] : memref<10000xf32, #tpu.memory_space<vmem>>[vector<16xi32>], vector<16xf32>,
        %gather3A_154 = tpu.vector_load_idx %arg12[%get3A_147] : memref<10000xf32, #tpu.memory_space<vmem>>[vector<16xi32>], vector<16xf32>,
        %gather3A_155 = tpu.vector_load_idx %arg13[%get3A_147] : memref<10000xf32, #tpu.memory_space<vmem>>[vector<16xi32>], vector<16xf32>,
        %min3A_156 = arith.minimumf %gather3A_152, %gather3A_148 : vector<16xf32>
        tpu.vector_store_idx %arg10[%get3A_147], %min3A_156 : memref<10000xf32, #tpu.memory_space<vmem>>[vector<16xi32>], vector<16xf32>,
        %min3A_157 = arith.minimumf %gather3A_153, %gather3A_149 : vector<16xf32>
        tpu.vector_store_idx %arg11[%get3A_147], %min3A_157 : memref<10000xf32, #tpu.memory_space<vmem>>[vector<16xi32>], vector<16xf32>,
        %min3A_158 = arith.minimumf %gather3A_154, %gather3A_150 : vector<16xf32>
        tpu.vector_store_idx %arg12[%get3A_147], %min3A_158 : memref<10000xf32, #tpu.memory_space<vmem>>[vector<16xi32>], vector<16xf32>,
        %min3A_159 = arith.minimumf %gather3A_155, %gather3A_151 : vector<16xf32>
        tpu.vector_store_idx %arg13[%get3A_147], %min3A_159 : memref<10000xf32, #tpu.memory_space<vmem>>[vector<16xi32>], vector<16xf32>,
        %gather3A_160 = tpu.vector_load_idx %arg10[%get3A_147] : memref<10000xf32, #tpu.memory_space<vmem>>[vector<16xi32>], vector<16xf32>,
        %gather3A_161 = tpu.vector_load_idx %arg11[%get3A_147] : memref<10000xf32, #tpu.memory_space<vmem>>[vector<16xi32>], vector<16xf32>,
        %gather3A_162 = tpu.vector_load_idx %arg12[%get3A_147] : memref<10000xf32, #tpu.memory_space<vmem>>[vector<16xi32>], vector<16xf32>,
        %gather3A_163 = tpu.vector_load_idx %arg13[%get3A_147] : memref<10000xf32, #tpu.memory_space<vmem>>[vector<16xi32>], vector<16xf32>,
        %min3A_164 = arith.minimumf %gather3A_160, %gather3A_148 : vector<16xf32>
        %lt3A_165 = arith.cmpf olt, %gather3A_148, %gather3A_160 : vector<16xf32>
        tpu.vector_store_idx %arg10[%get3A_147], %min3A_164 masked %lt3A_165 : memref<10000xf32, #tpu.memory_space<vmem>>[vector<16xi32>], vector<16xf32>, vector<16xi1>
        %min3A_166 = arith.minimumf %gather3A_161, %gather3A_149 : vector<16xf32>
        %lt3A_167 = arith.cmpf olt, %gather3A_149, %gather3A_161 : vector<16xf32>
        tpu.vector_store_idx %arg11[%get3A_147], %min3A_166 masked %lt3A_167 : memref<10000xf32, #tpu.memory_space<vmem>>[vector<16xi32>], vector<16xf32>, vector<16xi1>
        %min3A_168 = arith.minimumf %gather3A_162, %gather3A_150 : vector<16xf32>
        %lt3A_169 = arith.cmpf olt, %gather3A_150, %gather3A_162 : vector<16xf32>
        tpu.vector_store_idx %arg12[%get3A_147], %min3A_168 masked %lt3A_169 : memref<10000xf32, #tpu.memory_space<vmem>>[vector<16xi32>], vector<16xf32>, vector<16xi1>
        %min3A_170 = arith.minimumf %gather3A_163, %gather3A_151 : vector<16xf32>
        %lt3A_171 = arith.cmpf olt, %gather3A_151, %gather3A_163 : vector<16xf32>
        tpu.vector_store_idx %arg13[%get3A_147], %min3A_170 masked %lt3A_171 : memref<10000xf32, #tpu.memory_space<vmem>>[vector<16xi32>], vector<16xf32>, vector<16xi1>
        %gather3A_172 = tpu.vector_load_idx %arg10[%get3A_147] : memref<10000xf32, #tpu.memory_space<vmem>>[vector<16xi32>], vector<16xf32>,
        %gather3A_173 = tpu.vector_load_idx %arg11[%get3A_147] : memref<10000xf32, #tpu.memory_space<vmem>>[vector<16xi32>], vector<16xf32>,
        %gather3A_174 = tpu.vector_load_idx %arg12[%get3A_147] : memref<10000xf32, #tpu.memory_space<vmem>>[vector<16xi32>], vector<16xf32>,
        %gather3A_175 = tpu.vector_load_idx %arg13[%get3A_147] : memref<10000xf32, #tpu.memory_space<vmem>>[vector<16xi32>], vector<16xf32>,
        %lt3A_176 = arith.cmpf olt, %gather3A_148, %gather3A_172 : vector<16xf32>
        %or3A_177 = arith.ori %or3A_137, %lt3A_176 : vector<16xi1>
        %lt3A_178 = arith.cmpf olt, %gather3A_149, %gather3A_173 : vector<16xf32>
        %or3A_179 = arith.ori %or3A_177, %lt3A_178 : vector<16xi1>
        %lt3A_180 = arith.cmpf olt, %gather3A_150, %gather3A_174 : vector<16xf32>
        %or3A_181 = arith.ori %or3A_179, %lt3A_180 : vector<16xi1>
        %lt3A_182 = arith.cmpf olt, %gather3A_151, %gather3A_175 : vector<16xf32>
        %or3A_183 = arith.ori %or3A_181, %lt3A_182 : vector<16xi1>
        scf.yield %or3A_183 : vector<16xi1>
      }
      %scan3A_50 = arith.constant 400 : i32
      %reduce_or3A = arith.constant 1.000000e+00 : f32
      %reduce_or3A_51 = arith.constant 0.000000e+00 : f32
      %reduce_or3A_52 = vector.broadcast %reduce_or3A : f32 to vector<16xf32>
      %reduce_or3A_53 = vector.broadcast %reduce_or3A_51 : f32 to vector<16xf32>
      %reduce_or3A_54 = arith.select %scan3A_49, %reduce_or3A_52, %reduce_or3A_53 : vector<16xi1>, vector<16xf32>
      %reduce_or3A_55 = arith.constant true
      %reduce_or3A_56 = vector.broadcast %reduce_or3A_55 : i1 to vector<16xi1>
      %reduce_or3A_57 = tpu.scan <max>, %reduce_or3A_54 masked %reduce_or3A_56 : vector<16xf32>, vector<16xi1> -> vector<16xf32>
      %reduce_or3A_58 = vector.extract %reduce_or3A_57[15] : f32 from vector<16xf32>
      %reduce_or3A_59 = arith.constant 0.000000e+00 : f32
      %reduce_or3A_60 = arith.cmpf ogt, %reduce_or3A_58, %reduce_or3A_59 : f32
      %convert_element_type3A = arith.extui %reduce_or3A_60 : i1 to i32
      %cond3A = arith.constant 0 : i32
      %cond3A_61 = arith.cmpi ne, %convert_element_type3A, %cond3A : i32
      scf.if %cond3A_61 {
        %scan3A_96 = arith.constant 0 : i32
        %scan3A_97 = arith.constant 0 : i32
        %scan3A_98 = arith.constant 400 : i32
        %scan3A_99 = arith.addi %scan3A_97, %scan3A_98 : i32
        %scan3A_100 = arith.constant 1 : i32
        scf.for %scan3A_102 = %scan3A_97 to %scan3A_99 step %scan3A_100  : i32 {
          %mul3A_103 = arith.constant 16 : i32
          %mul3A_104 = arith.muli %scan3A_102, %mul3A_103 : i32
          %get3A = arith.index_cast %mul3A_104 : i32 to index
          %get3A_105 = tpu.vector_load %arg14[%get3A] {strides = array<i32>} : memref<6400xi32, #tpu.memory_space<vmem>>, vector<16xi32>,
          %mul3A_106 = arith.constant 16 : i32
          %mul3A_107 = arith.muli %scan3A_102, %mul3A_106 : i32
          %get3A_108 = arith.index_cast %mul3A_107 : i32 to index
          %get3A_109 = tpu.vector_load %arg15[%get3A_108] {strides = array<i32>} : memref<6400xi32, #tpu.memory_space<vmem>>, vector<16xi32>,
          %gather3A = tpu.vector_load_idx %arg6[%get3A_105] : memref<10000xf32, #tpu.memory_space<vmem>>[vector<16xi32>], vector<16xf32>,
          %gather3A_110 = tpu.vector_load_idx %arg7[%get3A_105] : memref<10000xf32, #tpu.memory_space<vmem>>[vector<16xi32>], vector<16xf32>,
          %gather3A_111 = tpu.vector_load_idx %arg8[%get3A_105] : memref<10000xf32, #tpu.memory_space<vmem>>[vector<16xi32>], vector<16xf32>,
          %gather3A_112 = tpu.vector_load_idx %arg9[%get3A_105] : memref<10000xf32, #tpu.memory_space<vmem>>[vector<16xi32>], vector<16xf32>,
          %gather3A_113 = tpu.vector_load_idx %arg10[%get3A_109] : memref<10000xf32, #tpu.memory_space<vmem>>[vector<16xi32>], vector<16xf32>,
          %gather3A_114 = tpu.vector_load_idx %arg11[%get3A_109] : memref<10000xf32, #tpu.memory_space<vmem>>[vector<16xi32>], vector<16xf32>,
          %gather3A_115 = tpu.vector_load_idx %arg12[%get3A_109] : memref<10000xf32, #tpu.memory_space<vmem>>[vector<16xi32>], vector<16xf32>,
          %gather3A_116 = tpu.vector_load_idx %arg13[%get3A_109] : memref<10000xf32, #tpu.memory_space<vmem>>[vector<16xi32>], vector<16xf32>,
          %lt3A_117 = arith.cmpf olt, %gather3A, %gather3A_113 : vector<16xf32>
          %lt3A_118 = arith.cmpf olt, %gather3A_110, %gather3A_114 : vector<16xf32>
          %lt3A_119 = arith.cmpf olt, %gather3A_111, %gather3A_115 : vector<16xf32>
          %lt3A_120 = arith.cmpf olt, %gather3A_112, %gather3A_116 : vector<16xf32>
          %or3A = arith.ori %lt3A_117, %lt3A_118 : vector<16xi1>
          %or3A_121 = arith.ori %or3A, %lt3A_119 : vector<16xi1>
          %or3A_122 = arith.ori %or3A_121, %lt3A_120 : vector<16xi1>
          %while3A:5 = scf.while (%while3A_123 = %or3A_122, %while3A_124 = %gather3A_113, %while3A_125 = %gather3A_114, %while3A_126 = %gather3A_115, %while3A_127 = %gather3A_116) : (vector<16xi1>, vector<16xf32>, vector<16xf32>, vector<16xf32>, vector<16xf32>) -> (vector<16xi1>, vector<16xf32>, vector<16xf32>, vector<16xf32>, vector<16xf32>) {
            %reduce_or3A_128 = arith.constant 1.000000e+00 : f32
            %reduce_or3A_129 = arith.constant 0.000000e+00 : f32
            %reduce_or3A_130 = vector.broadcast %reduce_or3A_128 : f32 to vector<16xf32>
            %reduce_or3A_131 = vector.broadcast %reduce_or3A_129 : f32 to vector<16xf32>
            %reduce_or3A_132 = arith.select %while3A_123, %reduce_or3A_130, %reduce_or3A_131 : vector<16xi1>, vector<16xf32>
            %reduce_or3A_133 = arith.constant true
            %reduce_or3A_134 = vector.broadcast %reduce_or3A_133 : i1 to vector<16xi1>
            %reduce_or3A_135 = tpu.scan <max>, %reduce_or3A_132 masked %reduce_or3A_134 : vector<16xf32>, vector<16xi1> -> vector<16xf32>
            %reduce_or3A_136 = vector.extract %reduce_or3A_135[15] : f32 from vector<16xf32>
            %reduce_or3A_137 = arith.constant 0.000000e+00 : f32
            %reduce_or3A_138 = arith.cmpf ogt, %reduce_or3A_136, %reduce_or3A_137 : f32
            scf.condition(%reduce_or3A_138) %while3A_123, %while3A_124, %while3A_125, %while3A_126, %while3A_127 : vector<16xi1>, vector<16xf32>, vector<16xf32>, vector<16xf32>, vector<16xf32>
          } do {
          ^bb0(%while3A_123: vector<16xi1>, %while3A_124: vector<16xf32>, %while3A_125: vector<16xf32>, %while3A_126: vector<16xf32>, %while3A_127: vector<16xf32>):
            %min3A = arith.minimumf %while3A_124, %gather3A : vector<16xf32>
            tpu.vector_store_idx %arg10[%get3A_109], %min3A masked %while3A_123 : memref<10000xf32, #tpu.memory_space<vmem>>[vector<16xi32>], vector<16xf32>, vector<16xi1>
            %min3A_128 = arith.minimumf %while3A_125, %gather3A_110 : vector<16xf32>
            tpu.vector_store_idx %arg11[%get3A_109], %min3A_128 masked %while3A_123 : memref<10000xf32, #tpu.memory_space<vmem>>[vector<16xi32>], vector<16xf32>, vector<16xi1>
            %min3A_129 = arith.minimumf %while3A_126, %gather3A_111 : vector<16xf32>
            tpu.vector_store_idx %arg12[%get3A_109], %min3A_129 masked %while3A_123 : memref<10000xf32, #tpu.memory_space<vmem>>[vector<16xi32>], vector<16xf32>, vector<16xi1>
            %min3A_130 = arith.minimumf %while3A_127, %gather3A_112 : vector<16xf32>
            tpu.vector_store_idx %arg13[%get3A_109], %min3A_130 masked %while3A_123 : memref<10000xf32, #tpu.memory_space<vmem>>[vector<16xi32>], vector<16xf32>, vector<16xi1>
            %gather3A_131 = tpu.vector_load_idx %arg10[%get3A_109] : memref<10000xf32, #tpu.memory_space<vmem>>[vector<16xi32>], vector<16xf32>,
            %gather3A_132 = tpu.vector_load_idx %arg11[%get3A_109] : memref<10000xf32, #tpu.memory_space<vmem>>[vector<16xi32>], vector<16xf32>,
            %gather3A_133 = tpu.vector_load_idx %arg12[%get3A_109] : memref<10000xf32, #tpu.memory_space<vmem>>[vector<16xi32>], vector<16xf32>,
            %gather3A_134 = tpu.vector_load_idx %arg13[%get3A_109] : memref<10000xf32, #tpu.memory_space<vmem>>[vector<16xi32>], vector<16xf32>,
            %le3A = arith.cmpf ole, %gather3A_131, %gather3A : vector<16xf32>
            %le3A_135 = arith.cmpf ole, %gather3A_132, %gather3A_110 : vector<16xf32>
            %le3A_136 = arith.cmpf ole, %gather3A_133, %gather3A_111 : vector<16xf32>
            %le3A_137 = arith.cmpf ole, %gather3A_134, %gather3A_112 : vector<16xf32>
            %and3A = arith.andi %le3A, %le3A_135 : vector<16xi1>
            %and3A_138 = arith.andi %and3A, %le3A_136 : vector<16xi1>
            %and3A_139 = arith.andi %and3A_138, %le3A_137 : vector<16xi1>
            %not3A = arith.constant dense<true> : vector<16xi1>
            %not3A_140 = arith.xori %and3A_139, %not3A : vector<16xi1>
            %and3A_141 = arith.andi %while3A_123, %not3A_140 : vector<16xi1>
            scf.yield %and3A_141, %gather3A_131, %gather3A_132, %gather3A_133, %gather3A_134 : vector<16xi1>, vector<16xf32>, vector<16xf32>, vector<16xf32>, vector<16xf32>
          }
        }
        %scan3A_101 = arith.constant 400 : i32
      } else {
      }
      %add3A_62 = arith.constant 2 : i32
      %add3A_63 = arith.addi %mul3A_31, %add3A_62 : i32
      %lt3A = arith.constant 50 : i32
      %lt3A_64 = arith.cmpi slt, %add3A_63, %lt3A : i32
      %convert_element_type3A_65 = arith.extui %lt3A_64 : i1 to i32
      %cond3A_66 = arith.constant 0 : i32
      %cond3A_67 = arith.cmpi ne, %convert_element_type3A_65, %cond3A_66 : i32
      scf.if %cond3A_67 {
        %add3A_96 = arith.constant 2 : i32
        %add3A_97 = arith.addi %mul3A_31, %add3A_96 : i32
        %mul3A_98 = arith.constant 6400 : i32
        %mul3A_99 = arith.muli %add3A_97, %mul3A_98 : i32
        %dma_start3A_100 = tpu.memref_slice %arg3[%mul3A_99] : memref<320000xi32, #tpu.memory_space<hbm>> -> memref<6400xi32, #tpu.memory_space<hbm>>
        %dma_start3A_101 = tpu.memref_slice %arg3[%mul3A_99] : memref<320000xi32, #tpu.memory_space<hbm>> -> memref<6400xi32, #tpu.memory_space<hbm>>
        tpu.enqueue_dma source(%dma_start3A_101 : memref<6400xi32, #tpu.memory_space<hbm>>) target(%arg14 : memref<6400xi32, #tpu.memory_space<vmem>>) target_semaphore(%arg18 : memref<!tpu.dma_semaphore, #tpu.memory_space<semaphore_mem>>)
        %dma_start3A_102 = tpu.memref_slice %arg4[%mul3A_99] : memref<320000xi32, #tpu.memory_space<hbm>> -> memref<6400xi32, #tpu.memory_space<hbm>>
        %dma_start3A_103 = tpu.memref_slice %arg4[%mul3A_99] : memref<320000xi32, #tpu.memory_space<hbm>> -> memref<6400xi32, #tpu.memory_space<hbm>>
        tpu.enqueue_dma source(%dma_start3A_103 : memref<6400xi32, #tpu.memory_space<hbm>>) target(%arg15 : memref<6400xi32, #tpu.memory_space<vmem>>) target_semaphore(%arg18 : memref<!tpu.dma_semaphore, #tpu.memory_space<semaphore_mem>>)
      } else {
      }
      %add3A_68 = arith.constant 1 : i32
      %add3A_69 = arith.addi %mul3A_31, %add3A_68 : i32
      %mul3A_70 = arith.constant 6400 : i32
      %mul3A_71 = arith.muli %add3A_69, %mul3A_70 : i32
      %dma_wait3A_72 = tpu.memref_slice %arg3[%mul3A_71] : memref<320000xi32, #tpu.memory_space<hbm>> -> memref<6400xi32, #tpu.memory_space<hbm>>
      %dma_wait3A_73 = tpu.memref_slice %arg3[%mul3A_71] : memref<320000xi32, #tpu.memory_space<hbm>> -> memref<6400xi32, #tpu.memory_space<hbm>>
      tpu.wait_dma2 semaphore(%arg19 : memref<!tpu.dma_semaphore, #tpu.memory_space<semaphore_mem>>) src(%dma_wait3A_73 : memref<6400xi32, #tpu.memory_space<hbm>>) dst(%arg16 : memref<6400xi32, #tpu.memory_space<vmem>>)
      %dma_wait3A_74 = tpu.memref_slice %arg4[%mul3A_71] : memref<320000xi32, #tpu.memory_space<hbm>> -> memref<6400xi32, #tpu.memory_space<hbm>>
      %dma_wait3A_75 = tpu.memref_slice %arg4[%mul3A_71] : memref<320000xi32, #tpu.memory_space<hbm>> -> memref<6400xi32, #tpu.memory_space<hbm>>
      tpu.wait_dma2 semaphore(%arg19 : memref<!tpu.dma_semaphore, #tpu.memory_space<semaphore_mem>>) src(%dma_wait3A_75 : memref<6400xi32, #tpu.memory_space<hbm>>) dst(%arg17 : memref<6400xi32, #tpu.memory_space<vmem>>)
      %scan3A_76 = arith.constant 0 : i32
      %scan3A_77 = arith.constant 400 : i32
      %scan3A_78 = arith.addi %scan3A_76, %scan3A_77 : i32
      %scan3A_79 = arith.constant 2 : i32
      %scan3A_80 = scf.for %scan3A_96 = %scan3A_76 to %scan3A_78 step %scan3A_79 iter_args(%scan3A_97 = %broadcast_in_dim3A_11) -> (vector<16xi1>)  : i32 {
        %mul3A_98 = arith.constant 16 : i32
        %mul3A_99 = arith.muli %scan3A_96, %mul3A_98 : i32
        %get3A = arith.index_cast %mul3A_99 : i32 to index
        %get3A_100 = tpu.vector_load %arg16[%get3A] {strides = array<i32>} : memref<6400xi32, #tpu.memory_space<vmem>>, vector<16xi32>,
        %mul3A_101 = arith.constant 16 : i32
        %mul3A_102 = arith.muli %scan3A_96, %mul3A_101 : i32
        %get3A_103 = arith.index_cast %mul3A_102 : i32 to index
        %get3A_104 = tpu.vector_load %arg17[%get3A_103] {strides = array<i32>} : memref<6400xi32, #tpu.memory_space<vmem>>, vector<16xi32>,
        %gather3A = tpu.vector_load_idx %arg6[%get3A_100] : memref<10000xf32, #tpu.memory_space<vmem>>[vector<16xi32>], vector<16xf32>,
        %gather3A_105 = tpu.vector_load_idx %arg7[%get3A_100] : memref<10000xf32, #tpu.memory_space<vmem>>[vector<16xi32>], vector<16xf32>,
        %gather3A_106 = tpu.vector_load_idx %arg8[%get3A_100] : memref<10000xf32, #tpu.memory_space<vmem>>[vector<16xi32>], vector<16xf32>,
        %gather3A_107 = tpu.vector_load_idx %arg9[%get3A_100] : memref<10000xf32, #tpu.memory_space<vmem>>[vector<16xi32>], vector<16xf32>,
        %gather3A_108 = tpu.vector_load_idx %arg10[%get3A_104] : memref<10000xf32, #tpu.memory_space<vmem>>[vector<16xi32>], vector<16xf32>,
        %gather3A_109 = tpu.vector_load_idx %arg11[%get3A_104] : memref<10000xf32, #tpu.memory_space<vmem>>[vector<16xi32>], vector<16xf32>,
        %gather3A_110 = tpu.vector_load_idx %arg12[%get3A_104] : memref<10000xf32, #tpu.memory_space<vmem>>[vector<16xi32>], vector<16xf32>,
        %gather3A_111 = tpu.vector_load_idx %arg13[%get3A_104] : memref<10000xf32, #tpu.memory_space<vmem>>[vector<16xi32>], vector<16xf32>,
        %min3A = arith.minimumf %gather3A_108, %gather3A : vector<16xf32>
        tpu.vector_store_idx %arg10[%get3A_104], %min3A : memref<10000xf32, #tpu.memory_space<vmem>>[vector<16xi32>], vector<16xf32>,
        %min3A_112 = arith.minimumf %gather3A_109, %gather3A_105 : vector<16xf32>
        tpu.vector_store_idx %arg11[%get3A_104], %min3A_112 : memref<10000xf32, #tpu.memory_space<vmem>>[vector<16xi32>], vector<16xf32>,
        %min3A_113 = arith.minimumf %gather3A_110, %gather3A_106 : vector<16xf32>
        tpu.vector_store_idx %arg12[%get3A_104], %min3A_113 : memref<10000xf32, #tpu.memory_space<vmem>>[vector<16xi32>], vector<16xf32>,
        %min3A_114 = arith.minimumf %gather3A_111, %gather3A_107 : vector<16xf32>
        tpu.vector_store_idx %arg13[%get3A_104], %min3A_114 : memref<10000xf32, #tpu.memory_space<vmem>>[vector<16xi32>], vector<16xf32>,
        %gather3A_115 = tpu.vector_load_idx %arg10[%get3A_104] : memref<10000xf32, #tpu.memory_space<vmem>>[vector<16xi32>], vector<16xf32>,
        %gather3A_116 = tpu.vector_load_idx %arg11[%get3A_104] : memref<10000xf32, #tpu.memory_space<vmem>>[vector<16xi32>], vector<16xf32>,
        %gather3A_117 = tpu.vector_load_idx %arg12[%get3A_104] : memref<10000xf32, #tpu.memory_space<vmem>>[vector<16xi32>], vector<16xf32>,
        %gather3A_118 = tpu.vector_load_idx %arg13[%get3A_104] : memref<10000xf32, #tpu.memory_space<vmem>>[vector<16xi32>], vector<16xf32>,
        %min3A_119 = arith.minimumf %gather3A_115, %gather3A : vector<16xf32>
        %lt3A_120 = arith.cmpf olt, %gather3A, %gather3A_115 : vector<16xf32>
        tpu.vector_store_idx %arg10[%get3A_104], %min3A_119 masked %lt3A_120 : memref<10000xf32, #tpu.memory_space<vmem>>[vector<16xi32>], vector<16xf32>, vector<16xi1>
        %min3A_121 = arith.minimumf %gather3A_116, %gather3A_105 : vector<16xf32>
        %lt3A_122 = arith.cmpf olt, %gather3A_105, %gather3A_116 : vector<16xf32>
        tpu.vector_store_idx %arg11[%get3A_104], %min3A_121 masked %lt3A_122 : memref<10000xf32, #tpu.memory_space<vmem>>[vector<16xi32>], vector<16xf32>, vector<16xi1>
        %min3A_123 = arith.minimumf %gather3A_117, %gather3A_106 : vector<16xf32>
        %lt3A_124 = arith.cmpf olt, %gather3A_106, %gather3A_117 : vector<16xf32>
        tpu.vector_store_idx %arg12[%get3A_104], %min3A_123 masked %lt3A_124 : memref<10000xf32, #tpu.memory_space<vmem>>[vector<16xi32>], vector<16xf32>, vector<16xi1>
        %min3A_125 = arith.minimumf %gather3A_118, %gather3A_107 : vector<16xf32>
        %lt3A_126 = arith.cmpf olt, %gather3A_107, %gather3A_118 : vector<16xf32>
        tpu.vector_store_idx %arg13[%get3A_104], %min3A_125 masked %lt3A_126 : memref<10000xf32, #tpu.memory_space<vmem>>[vector<16xi32>], vector<16xf32>, vector<16xi1>
        %gather3A_127 = tpu.vector_load_idx %arg10[%get3A_104] : memref<10000xf32, #tpu.memory_space<vmem>>[vector<16xi32>], vector<16xf32>,
        %gather3A_128 = tpu.vector_load_idx %arg11[%get3A_104] : memref<10000xf32, #tpu.memory_space<vmem>>[vector<16xi32>], vector<16xf32>,
        %gather3A_129 = tpu.vector_load_idx %arg12[%get3A_104] : memref<10000xf32, #tpu.memory_space<vmem>>[vector<16xi32>], vector<16xf32>,
        %gather3A_130 = tpu.vector_load_idx %arg13[%get3A_104] : memref<10000xf32, #tpu.memory_space<vmem>>[vector<16xi32>], vector<16xf32>,
        %lt3A_131 = arith.cmpf olt, %gather3A, %gather3A_127 : vector<16xf32>
        %or3A = arith.ori %scan3A_97, %lt3A_131 : vector<16xi1>
        %lt3A_132 = arith.cmpf olt, %gather3A_105, %gather3A_128 : vector<16xf32>
        %or3A_133 = arith.ori %or3A, %lt3A_132 : vector<16xi1>
        %lt3A_134 = arith.cmpf olt, %gather3A_106, %gather3A_129 : vector<16xf32>
        %or3A_135 = arith.ori %or3A_133, %lt3A_134 : vector<16xi1>
        %lt3A_136 = arith.cmpf olt, %gather3A_107, %gather3A_130 : vector<16xf32>
        %or3A_137 = arith.ori %or3A_135, %lt3A_136 : vector<16xi1>
        %scan3A_138 = arith.constant 1 : i32
        %scan3A_139 = arith.addi %scan3A_96, %scan3A_138 : i32
        %mul3A_140 = arith.constant 16 : i32
        %mul3A_141 = arith.muli %scan3A_139, %mul3A_140 : i32
        %get3A_142 = arith.index_cast %mul3A_141 : i32 to index
        %get3A_143 = tpu.vector_load %arg16[%get3A_142] {strides = array<i32>} : memref<6400xi32, #tpu.memory_space<vmem>>, vector<16xi32>,
        %mul3A_144 = arith.constant 16 : i32
        %mul3A_145 = arith.muli %scan3A_139, %mul3A_144 : i32
        %get3A_146 = arith.index_cast %mul3A_145 : i32 to index
        %get3A_147 = tpu.vector_load %arg17[%get3A_146] {strides = array<i32>} : memref<6400xi32, #tpu.memory_space<vmem>>, vector<16xi32>,
        %gather3A_148 = tpu.vector_load_idx %arg6[%get3A_143] : memref<10000xf32, #tpu.memory_space<vmem>>[vector<16xi32>], vector<16xf32>,
        %gather3A_149 = tpu.vector_load_idx %arg7[%get3A_143] : memref<10000xf32, #tpu.memory_space<vmem>>[vector<16xi32>], vector<16xf32>,
        %gather3A_150 = tpu.vector_load_idx %arg8[%get3A_143] : memref<10000xf32, #tpu.memory_space<vmem>>[vector<16xi32>], vector<16xf32>,
        %gather3A_151 = tpu.vector_load_idx %arg9[%get3A_143] : memref<10000xf32, #tpu.memory_space<vmem>>[vector<16xi32>], vector<16xf32>,
        %gather3A_152 = tpu.vector_load_idx %arg10[%get3A_147] : memref<10000xf32, #tpu.memory_space<vmem>>[vector<16xi32>], vector<16xf32>,
        %gather3A_153 = tpu.vector_load_idx %arg11[%get3A_147] : memref<10000xf32, #tpu.memory_space<vmem>>[vector<16xi32>], vector<16xf32>,
        %gather3A_154 = tpu.vector_load_idx %arg12[%get3A_147] : memref<10000xf32, #tpu.memory_space<vmem>>[vector<16xi32>], vector<16xf32>,
        %gather3A_155 = tpu.vector_load_idx %arg13[%get3A_147] : memref<10000xf32, #tpu.memory_space<vmem>>[vector<16xi32>], vector<16xf32>,
        %min3A_156 = arith.minimumf %gather3A_152, %gather3A_148 : vector<16xf32>
        tpu.vector_store_idx %arg10[%get3A_147], %min3A_156 : memref<10000xf32, #tpu.memory_space<vmem>>[vector<16xi32>], vector<16xf32>,
        %min3A_157 = arith.minimumf %gather3A_153, %gather3A_149 : vector<16xf32>
        tpu.vector_store_idx %arg11[%get3A_147], %min3A_157 : memref<10000xf32, #tpu.memory_space<vmem>>[vector<16xi32>], vector<16xf32>,
        %min3A_158 = arith.minimumf %gather3A_154, %gather3A_150 : vector<16xf32>
        tpu.vector_store_idx %arg12[%get3A_147], %min3A_158 : memref<10000xf32, #tpu.memory_space<vmem>>[vector<16xi32>], vector<16xf32>,
        %min3A_159 = arith.minimumf %gather3A_155, %gather3A_151 : vector<16xf32>
        tpu.vector_store_idx %arg13[%get3A_147], %min3A_159 : memref<10000xf32, #tpu.memory_space<vmem>>[vector<16xi32>], vector<16xf32>,
        %gather3A_160 = tpu.vector_load_idx %arg10[%get3A_147] : memref<10000xf32, #tpu.memory_space<vmem>>[vector<16xi32>], vector<16xf32>,
        %gather3A_161 = tpu.vector_load_idx %arg11[%get3A_147] : memref<10000xf32, #tpu.memory_space<vmem>>[vector<16xi32>], vector<16xf32>,
        %gather3A_162 = tpu.vector_load_idx %arg12[%get3A_147] : memref<10000xf32, #tpu.memory_space<vmem>>[vector<16xi32>], vector<16xf32>,
        %gather3A_163 = tpu.vector_load_idx %arg13[%get3A_147] : memref<10000xf32, #tpu.memory_space<vmem>>[vector<16xi32>], vector<16xf32>,
        %min3A_164 = arith.minimumf %gather3A_160, %gather3A_148 : vector<16xf32>
        %lt3A_165 = arith.cmpf olt, %gather3A_148, %gather3A_160 : vector<16xf32>
        tpu.vector_store_idx %arg10[%get3A_147], %min3A_164 masked %lt3A_165 : memref<10000xf32, #tpu.memory_space<vmem>>[vector<16xi32>], vector<16xf32>, vector<16xi1>
        %min3A_166 = arith.minimumf %gather3A_161, %gather3A_149 : vector<16xf32>
        %lt3A_167 = arith.cmpf olt, %gather3A_149, %gather3A_161 : vector<16xf32>
        tpu.vector_store_idx %arg11[%get3A_147], %min3A_166 masked %lt3A_167 : memref<10000xf32, #tpu.memory_space<vmem>>[vector<16xi32>], vector<16xf32>, vector<16xi1>
        %min3A_168 = arith.minimumf %gather3A_162, %gather3A_150 : vector<16xf32>
        %lt3A_169 = arith.cmpf olt, %gather3A_150, %gather3A_162 : vector<16xf32>
        tpu.vector_store_idx %arg12[%get3A_147], %min3A_168 masked %lt3A_169 : memref<10000xf32, #tpu.memory_space<vmem>>[vector<16xi32>], vector<16xf32>, vector<16xi1>
        %min3A_170 = arith.minimumf %gather3A_163, %gather3A_151 : vector<16xf32>
        %lt3A_171 = arith.cmpf olt, %gather3A_151, %gather3A_163 : vector<16xf32>
        tpu.vector_store_idx %arg13[%get3A_147], %min3A_170 masked %lt3A_171 : memref<10000xf32, #tpu.memory_space<vmem>>[vector<16xi32>], vector<16xf32>, vector<16xi1>
        %gather3A_172 = tpu.vector_load_idx %arg10[%get3A_147] : memref<10000xf32, #tpu.memory_space<vmem>>[vector<16xi32>], vector<16xf32>,
        %gather3A_173 = tpu.vector_load_idx %arg11[%get3A_147] : memref<10000xf32, #tpu.memory_space<vmem>>[vector<16xi32>], vector<16xf32>,
        %gather3A_174 = tpu.vector_load_idx %arg12[%get3A_147] : memref<10000xf32, #tpu.memory_space<vmem>>[vector<16xi32>], vector<16xf32>,
        %gather3A_175 = tpu.vector_load_idx %arg13[%get3A_147] : memref<10000xf32, #tpu.memory_space<vmem>>[vector<16xi32>], vector<16xf32>,
        %lt3A_176 = arith.cmpf olt, %gather3A_148, %gather3A_172 : vector<16xf32>
        %or3A_177 = arith.ori %or3A_137, %lt3A_176 : vector<16xi1>
        %lt3A_178 = arith.cmpf olt, %gather3A_149, %gather3A_173 : vector<16xf32>
        %or3A_179 = arith.ori %or3A_177, %lt3A_178 : vector<16xi1>
        %lt3A_180 = arith.cmpf olt, %gather3A_150, %gather3A_174 : vector<16xf32>
        %or3A_181 = arith.ori %or3A_179, %lt3A_180 : vector<16xi1>
        %lt3A_182 = arith.cmpf olt, %gather3A_151, %gather3A_175 : vector<16xf32>
        %or3A_183 = arith.ori %or3A_181, %lt3A_182 : vector<16xi1>
        scf.yield %or3A_183 : vector<16xi1>
      }
      %scan3A_81 = arith.constant 400 : i32
      %reduce_or3A_82 = arith.constant 1.000000e+00 : f32
      %reduce_or3A_83 = arith.constant 0.000000e+00 : f32
      %reduce_or3A_84 = vector.broadcast %reduce_or3A_82 : f32 to vector<16xf32>
      %reduce_or3A_85 = vector.broadcast %reduce_or3A_83 : f32 to vector<16xf32>
      %reduce_or3A_86 = arith.select %scan3A_80, %reduce_or3A_84, %reduce_or3A_85 : vector<16xi1>, vector<16xf32>
      %reduce_or3A_87 = arith.constant true
      %reduce_or3A_88 = vector.broadcast %reduce_or3A_87 : i1 to vector<16xi1>
      %reduce_or3A_89 = tpu.scan <max>, %reduce_or3A_86 masked %reduce_or3A_88 : vector<16xf32>, vector<16xi1> -> vector<16xf32>
      %reduce_or3A_90 = vector.extract %reduce_or3A_89[15] : f32 from vector<16xf32>
      %reduce_or3A_91 = arith.constant 0.000000e+00 : f32
      %reduce_or3A_92 = arith.cmpf ogt, %reduce_or3A_90, %reduce_or3A_91 : f32
      %convert_element_type3A_93 = arith.extui %reduce_or3A_92 : i1 to i32
      %cond3A_94 = arith.constant 0 : i32
      %cond3A_95 = arith.cmpi ne, %convert_element_type3A_93, %cond3A_94 : i32
      scf.if %cond3A_95 {
        %scan3A_96 = arith.constant 0 : i32
        %scan3A_97 = arith.constant 0 : i32
        %scan3A_98 = arith.constant 400 : i32
        %scan3A_99 = arith.addi %scan3A_97, %scan3A_98 : i32
        %scan3A_100 = arith.constant 1 : i32
        scf.for %scan3A_102 = %scan3A_97 to %scan3A_99 step %scan3A_100  : i32 {
          %mul3A_103 = arith.constant 16 : i32
          %mul3A_104 = arith.muli %scan3A_102, %mul3A_103 : i32
          %get3A = arith.index_cast %mul3A_104 : i32 to index
          %get3A_105 = tpu.vector_load %arg16[%get3A] {strides = array<i32>} : memref<6400xi32, #tpu.memory_space<vmem>>, vector<16xi32>,
          %mul3A_106 = arith.constant 16 : i32
          %mul3A_107 = arith.muli %scan3A_102, %mul3A_106 : i32
          %get3A_108 = arith.index_cast %mul3A_107 : i32 to index
          %get3A_109 = tpu.vector_load %arg17[%get3A_108] {strides = array<i32>} : memref<6400xi32, #tpu.memory_space<vmem>>, vector<16xi32>,
          %gather3A = tpu.vector_load_idx %arg6[%get3A_105] : memref<10000xf32, #tpu.memory_space<vmem>>[vector<16xi32>], vector<16xf32>,
          %gather3A_110 = tpu.vector_load_idx %arg7[%get3A_105] : memref<10000xf32, #tpu.memory_space<vmem>>[vector<16xi32>], vector<16xf32>,
          %gather3A_111 = tpu.vector_load_idx %arg8[%get3A_105] : memref<10000xf32, #tpu.memory_space<vmem>>[vector<16xi32>], vector<16xf32>,
          %gather3A_112 = tpu.vector_load_idx %arg9[%get3A_105] : memref<10000xf32, #tpu.memory_space<vmem>>[vector<16xi32>], vector<16xf32>,
          %gather3A_113 = tpu.vector_load_idx %arg10[%get3A_109] : memref<10000xf32, #tpu.memory_space<vmem>>[vector<16xi32>], vector<16xf32>,
          %gather3A_114 = tpu.vector_load_idx %arg11[%get3A_109] : memref<10000xf32, #tpu.memory_space<vmem>>[vector<16xi32>], vector<16xf32>,
          %gather3A_115 = tpu.vector_load_idx %arg12[%get3A_109] : memref<10000xf32, #tpu.memory_space<vmem>>[vector<16xi32>], vector<16xf32>,
          %gather3A_116 = tpu.vector_load_idx %arg13[%get3A_109] : memref<10000xf32, #tpu.memory_space<vmem>>[vector<16xi32>], vector<16xf32>,
          %lt3A_117 = arith.cmpf olt, %gather3A, %gather3A_113 : vector<16xf32>
          %lt3A_118 = arith.cmpf olt, %gather3A_110, %gather3A_114 : vector<16xf32>
          %lt3A_119 = arith.cmpf olt, %gather3A_111, %gather3A_115 : vector<16xf32>
          %lt3A_120 = arith.cmpf olt, %gather3A_112, %gather3A_116 : vector<16xf32>
          %or3A = arith.ori %lt3A_117, %lt3A_118 : vector<16xi1>
          %or3A_121 = arith.ori %or3A, %lt3A_119 : vector<16xi1>
          %or3A_122 = arith.ori %or3A_121, %lt3A_120 : vector<16xi1>
          %while3A:5 = scf.while (%while3A_123 = %or3A_122, %while3A_124 = %gather3A_113, %while3A_125 = %gather3A_114, %while3A_126 = %gather3A_115, %while3A_127 = %gather3A_116) : (vector<16xi1>, vector<16xf32>, vector<16xf32>, vector<16xf32>, vector<16xf32>) -> (vector<16xi1>, vector<16xf32>, vector<16xf32>, vector<16xf32>, vector<16xf32>) {
            %reduce_or3A_128 = arith.constant 1.000000e+00 : f32
            %reduce_or3A_129 = arith.constant 0.000000e+00 : f32
            %reduce_or3A_130 = vector.broadcast %reduce_or3A_128 : f32 to vector<16xf32>
            %reduce_or3A_131 = vector.broadcast %reduce_or3A_129 : f32 to vector<16xf32>
            %reduce_or3A_132 = arith.select %while3A_123, %reduce_or3A_130, %reduce_or3A_131 : vector<16xi1>, vector<16xf32>
            %reduce_or3A_133 = arith.constant true
            %reduce_or3A_134 = vector.broadcast %reduce_or3A_133 : i1 to vector<16xi1>
            %reduce_or3A_135 = tpu.scan <max>, %reduce_or3A_132 masked %reduce_or3A_134 : vector<16xf32>, vector<16xi1> -> vector<16xf32>
            %reduce_or3A_136 = vector.extract %reduce_or3A_135[15] : f32 from vector<16xf32>
            %reduce_or3A_137 = arith.constant 0.000000e+00 : f32
            %reduce_or3A_138 = arith.cmpf ogt, %reduce_or3A_136, %reduce_or3A_137 : f32
            scf.condition(%reduce_or3A_138) %while3A_123, %while3A_124, %while3A_125, %while3A_126, %while3A_127 : vector<16xi1>, vector<16xf32>, vector<16xf32>, vector<16xf32>, vector<16xf32>
          } do {
          ^bb0(%while3A_123: vector<16xi1>, %while3A_124: vector<16xf32>, %while3A_125: vector<16xf32>, %while3A_126: vector<16xf32>, %while3A_127: vector<16xf32>):
            %min3A = arith.minimumf %while3A_124, %gather3A : vector<16xf32>
            tpu.vector_store_idx %arg10[%get3A_109], %min3A masked %while3A_123 : memref<10000xf32, #tpu.memory_space<vmem>>[vector<16xi32>], vector<16xf32>, vector<16xi1>
            %min3A_128 = arith.minimumf %while3A_125, %gather3A_110 : vector<16xf32>
            tpu.vector_store_idx %arg11[%get3A_109], %min3A_128 masked %while3A_123 : memref<10000xf32, #tpu.memory_space<vmem>>[vector<16xi32>], vector<16xf32>, vector<16xi1>
            %min3A_129 = arith.minimumf %while3A_126, %gather3A_111 : vector<16xf32>
            tpu.vector_store_idx %arg12[%get3A_109], %min3A_129 masked %while3A_123 : memref<10000xf32, #tpu.memory_space<vmem>>[vector<16xi32>], vector<16xf32>, vector<16xi1>
            %min3A_130 = arith.minimumf %while3A_127, %gather3A_112 : vector<16xf32>
            tpu.vector_store_idx %arg13[%get3A_109], %min3A_130 masked %while3A_123 : memref<10000xf32, #tpu.memory_space<vmem>>[vector<16xi32>], vector<16xf32>, vector<16xi1>
            %gather3A_131 = tpu.vector_load_idx %arg10[%get3A_109] : memref<10000xf32, #tpu.memory_space<vmem>>[vector<16xi32>], vector<16xf32>,
            %gather3A_132 = tpu.vector_load_idx %arg11[%get3A_109] : memref<10000xf32, #tpu.memory_space<vmem>>[vector<16xi32>], vector<16xf32>,
            %gather3A_133 = tpu.vector_load_idx %arg12[%get3A_109] : memref<10000xf32, #tpu.memory_space<vmem>>[vector<16xi32>], vector<16xf32>,
            %gather3A_134 = tpu.vector_load_idx %arg13[%get3A_109] : memref<10000xf32, #tpu.memory_space<vmem>>[vector<16xi32>], vector<16xf32>,
            %le3A = arith.cmpf ole, %gather3A_131, %gather3A : vector<16xf32>
            %le3A_135 = arith.cmpf ole, %gather3A_132, %gather3A_110 : vector<16xf32>
            %le3A_136 = arith.cmpf ole, %gather3A_133, %gather3A_111 : vector<16xf32>
            %le3A_137 = arith.cmpf ole, %gather3A_134, %gather3A_112 : vector<16xf32>
            %and3A = arith.andi %le3A, %le3A_135 : vector<16xi1>
            %and3A_138 = arith.andi %and3A, %le3A_136 : vector<16xi1>
            %and3A_139 = arith.andi %and3A_138, %le3A_137 : vector<16xi1>
            %not3A = arith.constant dense<true> : vector<16xi1>
            %not3A_140 = arith.xori %and3A_139, %not3A : vector<16xi1>
            %and3A_141 = arith.andi %while3A_123, %not3A_140 : vector<16xi1>
            scf.yield %and3A_141, %gather3A_131, %gather3A_132, %gather3A_133, %gather3A_134 : vector<16xi1>, vector<16xf32>, vector<16xf32>, vector<16xf32>, vector<16xf32>
          }
        }
        %scan3A_101 = arith.constant 400 : i32
      } else {
      }
    }
    %scan3A_24 = arith.constant 25 : i32
    %run_scoped3A_25 = arith.constant 0 : i32
    "tpu.region"() ({
      %run_scoped3A_29 = tpu.sem_alloc : memref<!tpu.dma_semaphore, #tpu.memory_space<semaphore_mem>>
      %dma_start3A_30 = arith.constant 0 : i32
      %dma_start3A_31 = tpu.memref_slice %arg5[%add3A, %run_scoped3A_25, %dma_start3A_30] : memref<32x4x10000xf32, #tpu.memory_space<hbm>> -> memref<1x1x10000xf32, #tpu.memory_space<hbm>>
      %dma_start3A_32 = tpu.memref_squeeze %dma_start3A_31 : memref<1x1x10000xf32, #tpu.memory_space<hbm>> -> memref<10000xf32, #tpu.memory_space<hbm>>
      %dma_start3A_33 = arith.constant 0 : i32
      %dma_start3A_34 = tpu.memref_slice %arg5[%add3A, %run_scoped3A_25, %dma_start3A_33] : memref<32x4x10000xf32, #tpu.memory_space<hbm>> -> memref<1x1x10000xf32, #tpu.memory_space<hbm>>
      %dma_start3A_35 = tpu.memref_squeeze %dma_start3A_34 : memref<1x1x10000xf32, #tpu.memory_space<hbm>> -> memref<10000xf32, #tpu.memory_space<hbm>>
      tpu.enqueue_dma source(%arg10 : memref<10000xf32, #tpu.memory_space<vmem>>) target(%dma_start3A_35 : memref<10000xf32, #tpu.memory_space<hbm>>) target_semaphore(%run_scoped3A_29 : memref<!tpu.dma_semaphore, #tpu.memory_space<semaphore_mem>>)
      %dma_wait3A = arith.constant 0 : i32
      %dma_wait3A_36 = tpu.memref_slice %arg5[%add3A, %run_scoped3A_25, %dma_wait3A] : memref<32x4x10000xf32, #tpu.memory_space<hbm>> -> memref<1x1x10000xf32, #tpu.memory_space<hbm>>
      %dma_wait3A_37 = tpu.memref_squeeze %dma_wait3A_36 : memref<1x1x10000xf32, #tpu.memory_space<hbm>> -> memref<10000xf32, #tpu.memory_space<hbm>>
      %dma_wait3A_38 = arith.constant 0 : i32
      %dma_wait3A_39 = tpu.memref_slice %arg5[%add3A, %run_scoped3A_25, %dma_wait3A_38] : memref<32x4x10000xf32, #tpu.memory_space<hbm>> -> memref<1x1x10000xf32, #tpu.memory_space<hbm>>
      %dma_wait3A_40 = tpu.memref_squeeze %dma_wait3A_39 : memref<1x1x10000xf32, #tpu.memory_space<hbm>> -> memref<10000xf32, #tpu.memory_space<hbm>>
      tpu.wait_dma2 semaphore(%run_scoped3A_29 : memref<!tpu.dma_semaphore, #tpu.memory_space<semaphore_mem>>) src(%arg10 : memref<10000xf32, #tpu.memory_space<vmem>>) dst(%dma_wait3A_40 : memref<10000xf32, #tpu.memory_space<hbm>>)
      tpu.yield
    }) : () -> ()
    %run_scoped3A_26 = arith.constant 1 : i32
    "tpu.region"() ({
      %run_scoped3A_29 = tpu.sem_alloc : memref<!tpu.dma_semaphore, #tpu.memory_space<semaphore_mem>>
      %dma_start3A_30 = arith.constant 0 : i32
      %dma_start3A_31 = tpu.memref_slice %arg5[%add3A, %run_scoped3A_26, %dma_start3A_30] : memref<32x4x10000xf32, #tpu.memory_space<hbm>> -> memref<1x1x10000xf32, #tpu.memory_space<hbm>>
      %dma_start3A_32 = tpu.memref_squeeze %dma_start3A_31 : memref<1x1x10000xf32, #tpu.memory_space<hbm>> -> memref<10000xf32, #tpu.memory_space<hbm>>
      %dma_start3A_33 = arith.constant 0 : i32
      %dma_start3A_34 = tpu.memref_slice %arg5[%add3A, %run_scoped3A_26, %dma_start3A_33] : memref<32x4x10000xf32, #tpu.memory_space<hbm>> -> memref<1x1x10000xf32, #tpu.memory_space<hbm>>
      %dma_start3A_35 = tpu.memref_squeeze %dma_start3A_34 : memref<1x1x10000xf32, #tpu.memory_space<hbm>> -> memref<10000xf32, #tpu.memory_space<hbm>>
      tpu.enqueue_dma source(%arg11 : memref<10000xf32, #tpu.memory_space<vmem>>) target(%dma_start3A_35 : memref<10000xf32, #tpu.memory_space<hbm>>) target_semaphore(%run_scoped3A_29 : memref<!tpu.dma_semaphore, #tpu.memory_space<semaphore_mem>>)
      %dma_wait3A = arith.constant 0 : i32
      %dma_wait3A_36 = tpu.memref_slice %arg5[%add3A, %run_scoped3A_26, %dma_wait3A] : memref<32x4x10000xf32, #tpu.memory_space<hbm>> -> memref<1x1x10000xf32, #tpu.memory_space<hbm>>
      %dma_wait3A_37 = tpu.memref_squeeze %dma_wait3A_36 : memref<1x1x10000xf32, #tpu.memory_space<hbm>> -> memref<10000xf32, #tpu.memory_space<hbm>>
      %dma_wait3A_38 = arith.constant 0 : i32
      %dma_wait3A_39 = tpu.memref_slice %arg5[%add3A, %run_scoped3A_26, %dma_wait3A_38] : memref<32x4x10000xf32, #tpu.memory_space<hbm>> -> memref<1x1x10000xf32, #tpu.memory_space<hbm>>
      %dma_wait3A_40 = tpu.memref_squeeze %dma_wait3A_39 : memref<1x1x10000xf32, #tpu.memory_space<hbm>> -> memref<10000xf32, #tpu.memory_space<hbm>>
      tpu.wait_dma2 semaphore(%run_scoped3A_29 : memref<!tpu.dma_semaphore, #tpu.memory_space<semaphore_mem>>) src(%arg11 : memref<10000xf32, #tpu.memory_space<vmem>>) dst(%dma_wait3A_40 : memref<10000xf32, #tpu.memory_space<hbm>>)
      tpu.yield
    }) : () -> ()
    %run_scoped3A_27 = arith.constant 2 : i32
    "tpu.region"() ({
      %run_scoped3A_29 = tpu.sem_alloc : memref<!tpu.dma_semaphore, #tpu.memory_space<semaphore_mem>>
      %dma_start3A_30 = arith.constant 0 : i32
      %dma_start3A_31 = tpu.memref_slice %arg5[%add3A, %run_scoped3A_27, %dma_start3A_30] : memref<32x4x10000xf32, #tpu.memory_space<hbm>> -> memref<1x1x10000xf32, #tpu.memory_space<hbm>>
      %dma_start3A_32 = tpu.memref_squeeze %dma_start3A_31 : memref<1x1x10000xf32, #tpu.memory_space<hbm>> -> memref<10000xf32, #tpu.memory_space<hbm>>
      %dma_start3A_33 = arith.constant 0 : i32
      %dma_start3A_34 = tpu.memref_slice %arg5[%add3A, %run_scoped3A_27, %dma_start3A_33] : memref<32x4x10000xf32, #tpu.memory_space<hbm>> -> memref<1x1x10000xf32, #tpu.memory_space<hbm>>
      %dma_start3A_35 = tpu.memref_squeeze %dma_start3A_34 : memref<1x1x10000xf32, #tpu.memory_space<hbm>> -> memref<10000xf32, #tpu.memory_space<hbm>>
      tpu.enqueue_dma source(%arg12 : memref<10000xf32, #tpu.memory_space<vmem>>) target(%dma_start3A_35 : memref<10000xf32, #tpu.memory_space<hbm>>) target_semaphore(%run_scoped3A_29 : memref<!tpu.dma_semaphore, #tpu.memory_space<semaphore_mem>>)
      %dma_wait3A = arith.constant 0 : i32
      %dma_wait3A_36 = tpu.memref_slice %arg5[%add3A, %run_scoped3A_27, %dma_wait3A] : memref<32x4x10000xf32, #tpu.memory_space<hbm>> -> memref<1x1x10000xf32, #tpu.memory_space<hbm>>
      %dma_wait3A_37 = tpu.memref_squeeze %dma_wait3A_36 : memref<1x1x10000xf32, #tpu.memory_space<hbm>> -> memref<10000xf32, #tpu.memory_space<hbm>>
      %dma_wait3A_38 = arith.constant 0 : i32
      %dma_wait3A_39 = tpu.memref_slice %arg5[%add3A, %run_scoped3A_27, %dma_wait3A_38] : memref<32x4x10000xf32, #tpu.memory_space<hbm>> -> memref<1x1x10000xf32, #tpu.memory_space<hbm>>
      %dma_wait3A_40 = tpu.memref_squeeze %dma_wait3A_39 : memref<1x1x10000xf32, #tpu.memory_space<hbm>> -> memref<10000xf32, #tpu.memory_space<hbm>>
      tpu.wait_dma2 semaphore(%run_scoped3A_29 : memref<!tpu.dma_semaphore, #tpu.memory_space<semaphore_mem>>) src(%arg12 : memref<10000xf32, #tpu.memory_space<vmem>>) dst(%dma_wait3A_40 : memref<10000xf32, #tpu.memory_space<hbm>>)
      tpu.yield
    }) : () -> ()
    %run_scoped3A_28 = arith.constant 3 : i32
    "tpu.region"() ({
      %run_scoped3A_29 = tpu.sem_alloc : memref<!tpu.dma_semaphore, #tpu.memory_space<semaphore_mem>>
      %dma_start3A_30 = arith.constant 0 : i32
      %dma_start3A_31 = tpu.memref_slice %arg5[%add3A, %run_scoped3A_28, %dma_start3A_30] : memref<32x4x10000xf32, #tpu.memory_space<hbm>> -> memref<1x1x10000xf32, #tpu.memory_space<hbm>>
      %dma_start3A_32 = tpu.memref_squeeze %dma_start3A_31 : memref<1x1x10000xf32, #tpu.memory_space<hbm>> -> memref<10000xf32, #tpu.memory_space<hbm>>
      %dma_start3A_33 = arith.constant 0 : i32
      %dma_start3A_34 = tpu.memref_slice %arg5[%add3A, %run_scoped3A_28, %dma_start3A_33] : memref<32x4x10000xf32, #tpu.memory_space<hbm>> -> memref<1x1x10000xf32, #tpu.memory_space<hbm>>
      %dma_start3A_35 = tpu.memref_squeeze %dma_start3A_34 : memref<1x1x10000xf32, #tpu.memory_space<hbm>> -> memref<10000xf32, #tpu.memory_space<hbm>>
      tpu.enqueue_dma source(%arg13 : memref<10000xf32, #tpu.memory_space<vmem>>) target(%dma_start3A_35 : memref<10000xf32, #tpu.memory_space<hbm>>) target_semaphore(%run_scoped3A_29 : memref<!tpu.dma_semaphore, #tpu.memory_space<semaphore_mem>>)
      %dma_wait3A = arith.constant 0 : i32
      %dma_wait3A_36 = tpu.memref_slice %arg5[%add3A, %run_scoped3A_28, %dma_wait3A] : memref<32x4x10000xf32, #tpu.memory_space<hbm>> -> memref<1x1x10000xf32, #tpu.memory_space<hbm>>
      %dma_wait3A_37 = tpu.memref_squeeze %dma_wait3A_36 : memref<1x1x10000xf32, #tpu.memory_space<hbm>> -> memref<10000xf32, #tpu.memory_space<hbm>>
      %dma_wait3A_38 = arith.constant 0 : i32
      %dma_wait3A_39 = tpu.memref_slice %arg5[%add3A, %run_scoped3A_28, %dma_wait3A_38] : memref<32x4x10000xf32, #tpu.memory_space<hbm>> -> memref<1x1x10000xf32, #tpu.memory_space<hbm>>
      %dma_wait3A_40 = tpu.memref_squeeze %dma_wait3A_39 : memref<1x1x10000xf32, #tpu.memory_space<hbm>> -> memref<10000xf32, #tpu.memory_space<hbm>>
      tpu.wait_dma2 semaphore(%run_scoped3A_29 : memref<!tpu.dma_semaphore, #tpu.memory_space<semaphore_mem>>) src(%arg13 : memref<10000xf32, #tpu.memory_space<vmem>>) dst(%dma_wait3A_40 : memref<10000xf32, #tpu.memory_space<hbm>>)
      tpu.yield
    }) : () -> ()
    return
  }
}

module attributes {stable_mosaic.version = 14 : i64} {
  func.func @_linear_body(%arg0: i32, %arg1: memref<400x128xf32, #tpu.memory_space<vmem>>, %arg2: memref<128x128xf32, #tpu.memory_space<vmem>>, %arg3: memref<128x128xf32, #tpu.memory_space<vmem>>, %arg4: memref<1x128xf32, #tpu.memory_space<vmem>>, %arg5: memref<400x128xf32, #tpu.memory_space<vmem>>, %arg6: memref<400x128xf32, #tpu.memory_space<vmem>>) attributes {dimension_semantics = [#tpu.dimension_semantics<arbitrary>], iteration_bounds = array<i64: 25>, scalar_prefetch = 0 : i64, scratch_operands = 0 : i64, tpu.core_type = #tpu.core_type<tc>, window_params = [{transform_indices = @transform_0, window_bounds = array<i64: 400, 128>}, {pipeline_mode = #tpu.pipeline_mode<synchronous>, transform_indices = @transform_1, window_bounds = array<i64: 128, 128>}, {pipeline_mode = #tpu.pipeline_mode<synchronous>, transform_indices = @transform_2, window_bounds = array<i64: 128, 128>}, {pipeline_mode = #tpu.pipeline_mode<synchronous>, transform_indices = @transform_3, window_bounds = array<i64: 1, 128>}, {transform_indices = @transform_4, window_bounds = array<i64: 400, 128>}, {transform_indices = @transform_5, window_bounds = array<i64: 400, 128>}]} {
    %get3A = arith.constant 0 : index
    %get3A_0 = arith.constant 0 : index
    %get3A_1 = vector.load %arg1[%get3A, %get3A_0] : memref<400x128xf32, #tpu.memory_space<vmem>>, vector<400x128xf32>
    %get3A_2 = arith.constant 0 : index
    %get3A_3 = arith.constant 0 : index
    %get3A_4 = vector.load %arg2[%get3A_2, %get3A_3] : memref<128x128xf32, #tpu.memory_space<vmem>>, vector<128x128xf32>
    %dot_general3A = arith.constant dense<0.000000e+00> : vector<400x128xf32>
    %dot_general3A_5 = tpu.matmul %get3A_1, %get3A_4, %dot_general3A {dimension_numbers = #tpu.dot_dimension_numbers<[1], [1], [0], [0], [0, 0, 1, 0], [], []>, precision = #tpu.contract_precision<fp32>, transpose_lhs_hint = false} : vector<400x128xf32>, vector<128x128xf32>, vector<400x128xf32> -> vector<400x128xf32>
    %get3A_6 = arith.constant 0 : index
    %get3A_7 = arith.constant 0 : index
    %get3A_8 = vector.load %arg3[%get3A_6, %get3A_7] : memref<128x128xf32, #tpu.memory_space<vmem>>, vector<128x128xf32>
    %dot_general3A_9 = arith.constant dense<0.000000e+00> : vector<400x128xf32>
    %dot_general3A_10 = tpu.matmul %get3A_1, %get3A_8, %dot_general3A_9 {dimension_numbers = #tpu.dot_dimension_numbers<[1], [1], [0], [0], [0, 0, 1, 0], [], []>, precision = #tpu.contract_precision<fp32>, transpose_lhs_hint = false} : vector<400x128xf32>, vector<128x128xf32>, vector<400x128xf32> -> vector<400x128xf32>
    %swap3A = arith.constant 0 : index
    %swap3A_11 = arith.constant 0 : index
    %swap3A_12 = vector.load %arg5[%swap3A, %swap3A_11] : memref<400x128xf32, #tpu.memory_space<vmem>>, vector<400x128xf32>
    tpu.vector_store %arg5[%swap3A, %swap3A_11], %dot_general3A_5 {strides = array<i32>} : memref<400x128xf32, #tpu.memory_space<vmem>>, vector<400x128xf32>,
    %add3A = arith.addf %dot_general3A_5, %dot_general3A_10 : vector<400x128xf32>
    %get3A_13 = arith.constant 0 : index
    %get3A_14 = arith.constant 0 : index
    %get3A_15 = vector.load %arg4[%get3A_13, %get3A_14] : memref<1x128xf32, #tpu.memory_space<vmem>>, vector<1x128xf32>
    %add3A_16 = vector.broadcast %get3A_15 : vector<1x128xf32> to vector<400x128xf32>
    %add3A_17 = arith.addf %add3A, %add3A_16 : vector<400x128xf32>
    %swap3A_18 = arith.constant 0 : index
    %swap3A_19 = arith.constant 0 : index
    %swap3A_20 = vector.load %arg6[%swap3A_18, %swap3A_19] : memref<400x128xf32, #tpu.memory_space<vmem>>, vector<400x128xf32>
    tpu.vector_store %arg6[%swap3A_18, %swap3A_19], %add3A_17 {strides = array<i32>} : memref<400x128xf32, #tpu.memory_space<vmem>>, vector<400x128xf32>,
    return
  }
  func.func @transform_0(%arg0: i32) -> (i32, i32) {
    %c0_i32 = arith.constant 0 : i32
    %c0_i32_0 = arith.constant 0 : i32
    return %arg0, %c0_i32 : i32, i32
  }
  func.func @transform_1(%arg0: i32) -> (i32, i32) {
    %c0_i32 = arith.constant 0 : i32
    %c0_i32_0 = arith.constant 0 : i32
    %c0_i32_1 = arith.constant 0 : i32
    return %c0_i32, %c0_i32_0 : i32, i32
  }
  func.func @transform_2(%arg0: i32) -> (i32, i32) {
    %c0_i32 = arith.constant 0 : i32
    %c0_i32_0 = arith.constant 0 : i32
    %c0_i32_1 = arith.constant 0 : i32
    return %c0_i32, %c0_i32_0 : i32, i32
  }
  func.func @transform_3(%arg0: i32) -> (i32, i32) {
    %c0_i32 = arith.constant 0 : i32
    %c0_i32_0 = arith.constant 0 : i32
    %c0_i32_1 = arith.constant 0 : i32
    return %c0_i32, %c0_i32_0 : i32, i32
  }
  func.func @transform_4(%arg0: i32) -> (i32, i32) {
    %c0_i32 = arith.constant 0 : i32
    %c0_i32_0 = arith.constant 0 : i32
    return %arg0, %c0_i32 : i32, i32
  }
  func.func @transform_5(%arg0: i32) -> (i32, i32) {
    %c0_i32 = arith.constant 0 : i32
    %c0_i32_0 = arith.constant 0 : i32
    return %arg0, %c0_i32 : i32, i32
  }
}

module attributes {stable_mosaic.version = 14 : i64} {
  func.func @_combine_body(%arg0: i32, %arg1: memref<400x128xf32, #tpu.memory_space<vmem>>, %arg2: memref<400x128xf32, #tpu.memory_space<vmem>>, %arg3: memref<400x128xf32, #tpu.memory_space<vmem>>) attributes {dimension_semantics = [#tpu.dimension_semantics<arbitrary>], iteration_bounds = array<i64: 25>, scalar_prefetch = 0 : i64, scratch_operands = 0 : i64, tpu.core_type = #tpu.core_type<tc>, window_params = [{transform_indices = @transform_0, window_bounds = array<i64: 400, 128>}, {transform_indices = @transform_1, window_bounds = array<i64: 400, 128>}, {transform_indices = @transform_2, window_bounds = array<i64: 400, 128>}]} {
    %get3A = arith.constant 0 : index
    %get3A_0 = arith.constant 0 : index
    %get3A_1 = vector.load %arg1[%get3A, %get3A_0] : memref<400x128xf32, #tpu.memory_space<vmem>>, vector<400x128xf32>
    %get3A_2 = arith.constant 0 : index
    %get3A_3 = arith.constant 0 : index
    %get3A_4 = vector.load %arg2[%get3A_2, %get3A_3] : memref<400x128xf32, #tpu.memory_space<vmem>>, vector<400x128xf32>
    %eq3A = arith.constant 0x7F800000 : f32
    %eq3A_5 = vector.broadcast %eq3A : f32 to vector<400x128xf32>
    %eq3A_6 = arith.cmpf oeq, %get3A_4, %eq3A_5 : vector<400x128xf32>
    %sub3A = arith.subf %get3A_1, %get3A_4 : vector<400x128xf32>
    %jit3A = arith.constant 0.000000e+00 : f32
    %broadcast_in_dim3A = vector.broadcast %jit3A : f32 to vector<400x128xf32>
    %select_n3A = arith.select %eq3A_6, %broadcast_in_dim3A, %sub3A : vector<400x128xi1>, vector<400x128xf32>
    %swap3A = arith.constant 0 : index
    %swap3A_7 = arith.constant 0 : index
    %swap3A_8 = vector.load %arg3[%swap3A, %swap3A_7] : memref<400x128xf32, #tpu.memory_space<vmem>>, vector<400x128xf32>
    tpu.vector_store %arg3[%swap3A, %swap3A_7], %select_n3A {strides = array<i32>} : memref<400x128xf32, #tpu.memory_space<vmem>>, vector<400x128xf32>,
    return
  }
  func.func @transform_0(%arg0: i32) -> (i32, i32) {
    %c0_i32 = arith.constant 0 : i32
    %c0_i32_0 = arith.constant 0 : i32
    return %arg0, %c0_i32 : i32, i32
  }
  func.func @transform_1(%arg0: i32) -> (i32, i32) {
    %c0_i32 = arith.constant 0 : i32
    %c0_i32_0 = arith.constant 0 : i32
    return %arg0, %c0_i32 : i32, i32
  }
  func.func @transform_2(%arg0: i32) -> (i32, i32) {
    %c0_i32 = arith.constant 0 : i32
    %c0_i32_0 = arith.constant 0 : i32
    return %arg0, %c0_i32 : i32, i32
  }
}

</mosaic_0001>

<sc_bundles>
// kernel: kernel.5.cloned.1.call-start
scs
__scs_entry_jumppad:
0x0: {  	(pc) =	sbr.rel $0x88, $3  }
0x1: {  	(tag) =	ssettag $0x0;
	lr =	simm.s32 $0x1  }
0x2: {  	[smem:$0x3F9B] =	sst lr;
	_ =	strace $0xD0000000  }
0x3: {  	_ = 	snop  }
0x4: {  	_ = 	snop  }
0x5: {  	_ = 	snop  }
0x6: {  	_ = 	snop  }
0x7: {  	_ = 	snop  }
__scs_overlays_trampoline_lowered:
0x8: {  	[smem:$0x3FAA] =	sst s0  }
0x9: {  	[smem:$0x3FAB] =	sst s1  }
0xa: {  	[smem:$0x3FAC] =	sst s2  }
0xb: {  	[smem:$0x3FAD] =	sst s3  }
0xc: {  	[smem:$0x3FAE] =	sst s4  }
0xd: {  	[smem:$0x3FAF] =	sst s5  }
0xe: {  	[smem:$0x3FB0] =	sst s6  }
0xf: {  	[smem:$0x3FB1] =	sst s7  }
0x10: {  	[smem:$0x3FB2] =	sst s8  }
0x11: {  	[smem:$0x3FB3] =	sst s9;
	s0 =	simm.s32 @!p0 $0x0  }
0x12: {  	s1 =	sld [smem:$0x3F99];
	s0 =	simm.s32 @p0 $0x1  }
0x13: {  	[smem:$0x3FB4] =	sst s0;
	s0 =	simm.s32 @!p1 $0x0  }
0x14: {  	s2 =	sld [smem:$0x3F98];
	s0 =	simm.s32 @p1 $0x1  }
0x15: {  	[smem:$0x3FB5] =	sst s0;
	s0 =	simm.s32 @!p2 $0x0  }
0x16: {  	s3 =	sld [smem:$0x3FDB];
	s0 =	simm.s32 @p2 $0x1  }
0x17: {  	s4 =	simm.s32 $0x1BF5;
	[smem:$0x3FB7] =	sst s0  }
0x18: {  	s0 =	sld [smem:$0x3F9A];
	_ =	swait.ge [sflag:s4], $0x0  }
0x19: {  	s7 =	sld [smem:$0x3F9B]  }
0x1a: {  	s8 =	sadd.s32 $0xFFFFE003, lr  }
0x1b: {  	s9 =	sadd.s32 $0xFFFFFEF7, lr;
	s5 =	simm.s32 $0xFFFFFFFF;
	p2 =	slt.u32 s8, $0xFFFFF086  }
0x1c: {  	p1 =	slt.u32 s9, $0xF7A;
	s5 =	simm.s32 @!p2 $0x0  }
0x1d: {  	s5 =	simm.s32 @p1 $0x1;
	p0 =	seq.s32 s7, s2  }
0x1e: {  	s7 =	smul.u32 @!p0 $0xF7A, s2;
	p2 =	seq.s32 @!p0 s5, $0x0  }
0x1f: {  	s9 =	smul.u32 $0xF7A, s1;
	s8 =	simm.s32 @!p0 $0x1BF5;
	p2 =	por !p2, p0  }
0x20: {  	[sflag:s8] =	ssyncset.s32 @!p0 $0xFFFFF086;
	s6 =	sadd.s32 @!p0 s3, s7;
	s7 =	simm.s32 @!p0 $0x108  }
0x21: {  	s3 =	sadd.s32 s3, s9;
	s6 =	sadd.s32 @!p0 $0x88, s6;
	s7 =	simm.s32 @p2 $0x1082  }
0x22: {  	[simem:s7], [sflag:s8] =	dma.local @!p0 [hbm:s6], $0xF7A  }
0x23: {  	s9 =	sor.u32 $0xD0000000, s2;
	s6 =	simm.s32 $0x108;
	_ =	swait.ge @!p0 [sflag:s8], $0x0  }
0x24: {  	s3 =	sadd.s32 $0x88, s3;
	s6 =	simm.s32 @!p1 $0x1082;
	[sflag:s4] =	ssyncset.s32 $0xFFFFF086  }
0x25: {  	[simem:s6], [sflag:s4] =	dma.local [hbm:s3], $0xF7A  }
0x26: {  	[smem:$0x3F9B] =	sst s1;
	(tag) =	ssettag s2;
	_ =	strace s9  }
0x27: {  	s1 =	sld [smem:$0x3FAB]  }
0x28: {  	s2 =	sld [smem:$0x3FAC]  }
0x29: {  	s4 =	sld [smem:$0x3FAE]  }
0x2a: {  	p0 =	seq.s32 s5, $0x0;
	s5 =	sld [smem:$0x3FAF]  }
0x2b: {  	s6 =	sld [smem:$0x3FB0]  }
0x2c: {  	s7 =	sld [smem:$0x3FB1]  }
0x2d: {  	s3 =	simm.s32 $0x108;
	s8 =	sld [smem:$0x3FB2]  }
0x2e: {  	s3 =	simm.s32 @!p0 $0x1082;
	s9 =	sld [smem:$0x3FB3]  }
0x2f: {  	lr =	sadd.s32 s0, s3;
	s0 =	sld [smem:$0x3FAA]  }
0x30: {  	s3 =	sld [smem:$0x3FAD]  }
0x31: {  	[smem:$0x3FB6] =	sst s10  }
0x32: {  	s10 =	sld [smem:$0x3FB4];
	_ =	sdelay $0x3  }
0x33: {  	p0 =	seq.s32 s10, $0x1;
	s10 =	sld [smem:$0x3FB6];
	_ =	sdelay $0x3  }
0x34: {  	[smem:$0x3FB6] =	sst s10  }
0x35: {  	s10 =	sld [smem:$0x3FB5];
	_ =	sdelay $0x3  }
0x36: {  	p1 =	seq.s32 s10, $0x1;
	s10 =	sld [smem:$0x3FB6];
	_ =	sdelay $0x3  }
0x37: {  	[smem:$0x3FB6] =	sst s10  }
0x38: {  	s10 =	sld [smem:$0x3FB7]  }
0x39: {  	_ = 	snop;
	(pc) =	sbr.ind lr, $3  }
0x3a: {  	_ = 	snop  }
0x3b: {  	_ = 	snop  }
0x3c: {  	p2 =	seq.s32 s10, $0x1;
	s10 =	sld [smem:$0x3FB6]  }
0x3d: {  	_ =	shalt  }
0x3e: {  	_ =	shalt  }
0x3f: {  	_ =	shalt  }
0x40: {  	_ =	shalt  }
0x41: {  	_ =	shalt  }
0x42: {  	_ =	shalt  }
0x43: {  	_ =	shalt  }
0x44: {  	_ =	shalt  }
0x45: {  	_ =	shalt  }
0x46: {  	_ =	shalt  }
0x47: {  	_ =	shalt  }
0x48: {  	_ =	shalt  }
0x49: {  	_ =	shalt  }
0x4a: {  	_ =	shalt  }
0x4b: {  	_ =	shalt  }
0x4c: {  	_ =	shalt  }
0x4d: {  	_ =	shalt  }
0x4e: {  	_ =	shalt  }
0x4f: {  	_ =	shalt  }
0x50: {  	_ =	shalt  }
0x51: {  	_ =	shalt  }
0x52: {  	_ =	shalt  }
0x53: {  	_ =	shalt  }
0x54: {  	_ =	shalt  }
0x55: {  	_ =	shalt  }
0x56: {  	_ =	shalt  }
0x57: {  	_ =	shalt  }
0x58: {  	_ =	shalt  }
0x59: {  	_ =	shalt  }
0x5a: {  	_ =	shalt  }
0x5b: {  	_ =	shalt  }
0x5c: {  	_ =	shalt  }
0x5d: {  	_ =	shalt  }
0x5e: {  	_ =	shalt  }
0x5f: {  	_ =	shalt  }
0x60: {  	_ =	shalt  }
0x61: {  	_ =	shalt  }
0x62: {  	_ =	shalt  }
0x63: {  	_ =	shalt  }
0x64: {  	_ =	shalt  }
0x65: {  	_ =	shalt  }
0x66: {  	_ =	shalt  }
0x67: {  	_ =	shalt  }
0x68: {  	_ =	shalt  }
0x69: {  	_ =	shalt  }
0x6a: {  	_ =	shalt  }
0x6b: {  	_ =	shalt  }
0x6c: {  	_ =	shalt  }
0x6d: {  	_ =	shalt  }
0x6e: {  	_ =	shalt  }
0x6f: {  	_ =	shalt  }
0x70: {  	_ =	shalt  }
0x71: {  	_ =	shalt  }
0x72: {  	_ =	shalt  }
0x73: {  	_ =	shalt  }
0x74: {  	_ =	shalt  }
0x75: {  	_ =	shalt  }
0x76: {  	_ =	shalt  }
0x77: {  	_ =	shalt  }
0x78: {  	_ =	shalt  }
0x79: {  	_ =	shalt  }
0x7a: {  	_ =	shalt  }
0x7b: {  	_ =	shalt  }
0x7c: {  	_ =	shalt  }
0x7d: {  	_ =	shalt  }
0x7e: {  	_ =	shalt  }
0x7f: {  	_ =	shalt  }
0x80: {  	_ =	shalt  }
0x81: {  	_ =	shalt  }
0x82: {  	_ =	shalt  }
0x83: {  	_ =	shalt  }
0x84: {  	_ =	shalt  }
0x85: {  	_ =	shalt  }
0x86: {  	_ =	shalt  }
0x87: {  	_ =	shalt  }
.Lfunc_end0:
.L_simem_size_0:
called_computation_lowered:
.L_overlay_start_0:
0x88: {  	s2 =	sld [smem:$0x3FD9]  }
0x89: {  	s3 =	sld [smem:$0x3FFE];
	_ =	sdelay $0x1  }
0x8a: {  	s1 =	srdreg.scid  }
0x8b: {  	s0 =	sand.u32 $0x1, s1  }
0x8c: {  	s17 =	sshll.u32 s0, $0xA;
	s2 =	sadd.s32 s3, s2  }
0x8d: {  	s2 =	sadd.s32 s2, s17  }
0x8e: {  	[smem:$0x3FC2] =	sst s2  }
0x8f: {  	_ = 	snop  }
0x90: {  	s2 =	sld [smem:$0x3FD0];
	(tm) =	ssettm $0x1  }
0x91: {  	s18 =	sld [smem:$0x3FFB];
	_ =	sdelay $0x3  }
0x92: {  	_ =	strace s18  }
0x93: {  	s3 =	sld [smem:$0x3FFC];
	_ =	sdelay $0x3  }
0x94: {  	_ =	strace s3  }
0x95: {  	s3 =	sld [smem:$0x3FFD];
	_ =	sdelay $0x3  }
0x96: {  	_ =	strace s3  }
0x97: {  	_ =	strace $0x8FFFFFFF  }
0x98: {  	s19 =	sld [smem:$0x3FDB];
	_ =	sdelay $0x1  }
0x99: {  	s4 =	simm.s32 $_scs_section_size  }
0x9a: {  	s5 =	simm.s32 $_size__tile_overlayer_lowered;
	s6 =	simm.s32 $_tile_overlayer_lowered  }
0x9b: {  	s22 =	simm.s32 $0x1BFF;
	s21 =	sshll.u32 s6, $0x1;
	s3 =	sadd.s32 s4, s19  }
0x9c: {  	s7 =	simm.s32 $0x0;
	s20 =	sshll.u32 s5, $0x1;
	s5 =	sadd.s32 s21, s3  }
0x9d: {  	[timem:s7], [sflag:s22] =	dma.local [hbm:s5], s20  }
0x9e: {  	_ =	swait.ge [sflag:s22], s20  }
0x9f: {  	s4 =	ssub.s32 $0x0, s20;
	[sflag:s22] =	ssyncset.done $0x0  }
0xa0: {  	[sflag:s22] =	ssyncadd.s32 s4;
	_ =	sdelay $0x1  }
0xa1: {  	s23 =	simm.s32 $0x1B8B  }
0xa2: {  	_ =	swait.ge [sflag:s23], $0x1  }
0xa3: {  	[sflag:s23] =	ssyncset.done $0x0  }
0xa4: {  	s25 =	simm.s32 $0x1B8E;
	s24 =	sld [smem:$0x3FFE];
	[sflag:s23] =	ssyncadd.s32 $0xFFFFFFFF  }
0xa5: {  	s26 =	simm.s32 $execute0_lowered;
	[smem:$0x3FD2] =	sst s25  }
0xa6: {  	s5 =	sshll.u32 s26, $0x1;
	_ =	strace $0x80000046;
	[dreg:$0x1] =	wrdreg $0xFFFFFFFF  }
0xa7: {  	s28 =	simm.s32 $_size_execute0_lowered;
	s3 =	sadd.s32 s3, s5;
	[dreg:$0x0] =	wrdreg $0x0  }
0xa8: {  	s5 =	sshll.u32 s28, $0x1;
	[dreg:$0x2] =	wrdreg s3  }
0xa9: {  	[dreg:$0x3] =	wrdreg s5  }
0xaa: {  	[dreg:$0x4] =	wrdreg $0xC0  }
0xab: {  	_ =	task [dreg:s7], $0x5FFFF  }
0xac: {  	[dreg:$0x1] =	wrdreg $0xFFFFFFFF  }
0xad: {  	[dreg:$0x0] =	wrdreg $0x60  }
0xae: {  	[dreg:$0x2] =	wrdreg s24  }
0xaf: {  	[dreg:$0x3] =	wrdreg s2  }
0xb0: {  	[dreg:$0x4] =	wrdreg $0x9  }
0xb1: {  	_ =	task.clear_ibuf [dreg:s7], $0x5FFFF;
	_ =	strace $0x90000046  }
0xb2: {  	s29 =	simm.s32 $0x9;
	_ =	strace $0x80000048  }
0xb3: {  	_ =	swait.ge [sflag:s29], $0x1  }
0xb4: {  	[sflag:s29] =	ssyncadd.s32 $0xFFFFFFFF  }
0xb5: {  	_ =	strace $0x90000048  }
0xb6: {  	_ =	sfence  }
0xb7: {  	s30 =	sld [smem:$0x0];
	_ =	sdelay $0x2  }
0xb8: {  	s31 =	sshll.u32 s1, $0xD;
	s1 =	sshrl.u32 s1, $0x2  }
0xb9: {  	s3 =	sand.u32 $0x4000, s31;
	s1 =	sadd.s32 s1, s30  }
0xba: {  	s0 =	sor.u32 s3, s0;
	s1 =	sshll.u32 s1, $0x11  }
0xbb: {  	s0 =	sor.u32 s1, s0  }
0xbc: {  	s0 =	sadd.s32 $0x8F2B, s0  }
0xbd: {  	[sflag:s0] =	ssyncadd.remote.s32 $0x1  }
0xbe: {  	_ =	sfence.sel $0xFFFF  }
0xbf: {  	[dreg:$0x0] =	wrdreg $0xFFFFFFFF;
	(pc) =	sbr.abs _section_cstart, $3  }
0xc0: {  	[dreg:$0x1] =	wrdreg $0xFFFFFFFF  }
0xc1: {  	_ =	task.clear_ibuf [dreg:s7], $0x2FFFF;
	_ =	strace $0x9FFFFFFF  }
0xc2: {  	(tm) =	ssettm $0x7FFFFFFF  }
0xc3: {  	_ =	shalt  }
tec
execute0_lowered:
.L_overlay_start_1:
0x0: {  	(tag) =	ssettag $0x1  }
0x1: {  	s0 =	rddreg [dreg:$0x0]  }
0x2: {  	s2 =	rddreg [dreg:$0x1]  }
0x3: {  	s3 =	simm.s32 $0x0;
	s1 =	srdreg.scid;
	s4 =	stileid.u32  }
0x4: {  	s14 =	simm.s32 $0x80;
	s15 =	simm.s32 $0x200;
	s16 =	simm.s32 $0x3  }
0x5: {  	s17 =	simm.s32 $0x2780;
	s18 =	simm.s32 $0x4F00;
	s19 =	simm.s32 $0x7680  }
0x6: {  	s22 =	simm.s32 $0x16E00;
	s23 =	simm.s32 $0x18700;
	s24 =	simm.s32 $0x1  }
0x7: {  	s28 =	simm.s32 $0xED00;
	s29 =	simm.s32 $0x11480;
	s30 =	simm.s32 $0x2  }
0x8: {  	s31 =	simm.s32 $0x0;
	s1 =	sand.u32 $0x1, s1;
	s4 =	sshll.u32 s4, $0x1  }
0x9: {  	[smem:$0x7FF] =	sst s3;
	s5 =	sadd.s32 $0xA600, s0;
	s4 =	sor.u32 s1, s4  }
0xa: {  	_ =	strace $0x80000047;
	s1 =	ssub.s32 $0x2, s1;
	s6 =	smul.u32 $0x13C0, s4  }
0xb: {  	s4 =	sadd.s32 $0x800, s0;
	s0 =	sadd.s32 $0x31E00, s0;
	s7 =	sshrl.u32 s1, $0x1  }
0xc: {  	s1 =	ssub.s32 s1, s7;
	s25 =	sadd.s32 s5, s6;
	s10 =	sor.u32 $0x10, s6  }
.Ltmp0:
0xd: {  	s11 =	sor.u32 $0x20, s6;
	s12 =	sor.u32 $0x30, s6;
	(pc) =	sbr.rel .LBB2_1-.Ltmp0, $4  }
0xe: {  	s9 =	sadd.s32 s0, s6;
	s13 =	smax.u32 s1, $0x1;
	[dreg:$0x3] =	wrdreg s25  }
0xf: {  	s26 =	sadd.s32 s5, s10;
	s7 =	sadd.s32 s5, s11;
	s8 =	sadd.s32 s5, s12  }
0x10: {  	s10 =	sadd.s32 s0, s10;
	s11 =	sadd.s32 s0, s11;
	s12 =	sadd.s32 s0, s12  }
0x11: {  	v0 =	vimm.f32 $+Inf;
	vm0 =	vmxor vm0, vm0;
	v1 =	vimm.f32 $0.0e+00;
	s25 =	simm.s32 $0x9E00;
	[dreg:$0x4] =	wrdreg s26;
	s26 =	simm.s32 $0xC580  }
.LBB2_17:
0x12: {  	[hbm4b:s9+s14] =	stream.strided.scatter [tilespmem:s25], [sflag:$0x3], $0x2780, s15, s14, $0x38;
	[tilespmem:$0x1A000] =	vst v63  }
0x13: {  	_ =	swait.ge [sflag:s16], $0x2780  }
0x14: {  	[sflag:s16] =	ssyncset.done $0x0  }
0x15: {  	[sflag:s16] =	ssyncadd.s32 $0xFFFFD880  }
0x16: {  	[hbm4b:s10+s14] =	stream.strided.scatter [tilespmem:s26], [sflag:$0x3], $0x2780, s15, s14, $0x38;
	[tilespmem:$0x1A000] =	vst v63  }
0x17: {  	_ =	swait.ge [sflag:s16], $0x2780  }
0x18: {  	[sflag:s16] =	ssyncset.done $0x0  }
0x19: {  	[sflag:s16] =	ssyncadd.s32 $0xFFFFD880  }
0x1a: {  	[hbm4b:s11+s14] =	stream.strided.scatter [tilespmem:s28], [sflag:$0x3], $0x2780, s15, s14, $0x38;
	[tilespmem:$0x1A000] =	vst v63  }
0x1b: {  	s31 =	sadd.s32 $0x1, s31;
	_ =	swait.ge [sflag:s16], $0x2780  }
0x1c: {  	p0 =	sne.s32 s31, s13;
	[sflag:s16] =	ssyncset.done $0x0  }
.Ltmp1:
0x1d: {  	[sflag:s16] =	ssyncadd.s32 $0xFFFFD880;
	(pc) =	sbr.rel @!p0 .LBB2_18-.Ltmp1, $4  }
0x1e: {  	[hbm4b:s12+s14] =	stream.strided.scatter [tilespmem:s29], [sflag:$0x3], $0x2780, s15, s14, $0x38;
	[tilespmem:$0x1A000] =	vst v63  }
0x1f: {  	_ =	swait.ge [sflag:s16], $0x2780  }
0x20: {  	[sflag:s16] =	ssyncset.done $0x0  }
0x21: {  	[sflag:s16] =	ssyncadd.s32 $0xFFFFD880  }
.LBB2_1:
0x22: {  	s0 =	rddreg [dreg:$0x3]  }
0x23: {  	[tilespmem:s3], [sflag:$0x3] =	stream.strided.gather [hbm4b:s0+s14], $0x2780, s15, s14, $0x38;
	[tilespmem:$0x1A000] =	vst v63  }
0x24: {  	_ =	swait.ge [sflag:s16], $0x2780  }
0x25: {  	[sflag:s16] =	ssyncset.done $0x0  }
0x26: {  	s21 =	rddreg [dreg:$0x4];
	[sflag:s16] =	ssyncadd.s32 $0xFFFFD880  }
0x27: {  	[tilespmem:s17], [sflag:$0x3] =	stream.strided.gather [hbm4b:s21+s14], $0x2780, s15, s14, $0x38;
	[tilespmem:$0x1A000] =	vst v63  }
0x28: {  	_ =	swait.ge [sflag:s16], $0x2780  }
0x29: {  	[sflag:s16] =	ssyncset.done $0x0  }
0x2a: {  	[sflag:s16] =	ssyncadd.s32 $0xFFFFD880  }
0x2b: {  	[tilespmem:s18], [sflag:$0x3] =	stream.strided.gather [hbm4b:s7+s14], $0x2780, s15, s14, $0x38;
	[tilespmem:$0x1A000] =	vst v63  }
0x2c: {  	_ =	swait.ge [sflag:s16], $0x2780  }
0x2d: {  	[sflag:s16] =	ssyncset.done $0x0  }
0x2e: {  	[sflag:s16] =	ssyncadd.s32 $0xFFFFD880  }
0x2f: {  	[tilespmem:s19], [sflag:$0x3] =	stream.strided.gather [hbm4b:s8+s14], $0x2780, s15, s14, $0x38;
	[tilespmem:$0x1A000] =	vst v63  }
0x30: {  	_ =	swait.ge [sflag:s16], $0x2780  }
0x31: {  	[sflag:s16] =	ssyncset.done $0x0  }
0x32: {  	s1 =	simm.s32 $0x40;
	s0 =	simm.s32 $0x0;
	[sflag:s16] =	ssyncadd.s32 $0xFFFFD880  }
.LBB2_2:
0x33: {  	p0 =	sne.s32 s1, $0x9C00;
	[tilespmem:s0+$0x11480] =	vst v0;
	s5 =	smov.u32 s1;
	s1 =	sadd.s32 $0x40, s1  }
.Ltmp2:
0x34: {  	[tilespmem:s0+$0xED00] =	vst v0;
	(pc) =	sbr.rel @p0 .LBB2_2-.Ltmp2, $3  }
0x35: {  	[tilespmem:s0+$0x9E00] =	vst v0  }
0x36: {  	[tilespmem:s0+$0xC580] =	vst v0;
	_ =	sdelay $0x1  }
0x37: {  	s0 =	sshra.s32 s5, $0x2  }
0x38: {  	[tilespmem:s0+$0x11480] =	vst v0  }
0x39: {  	[tilespmem:s0+$0xED00] =	vst v0  }
.Ltmp3:
0x3a: {  	[tilespmem:s0+$0x9E00] =	vst v0;
	(pc) =	sbr.rel .LBB2_4-.Ltmp3, $4  }
0x3b: {  	[tilespmem:s0+$0xC580] =	vst v0;
	s0 =	simm.s32 $0x0;
	s1 =	simm.s32 $0x13C00  }
0x3c: {  	[tilespmem:s1], [sflag:$0x1] =	stream.linear.gather [hbm4b:s4+s0], $0x1900, $0x38;
	[tilespmem:$0x1A000] =	vst v63  }
0x3d: {  	s21 =	simm.s32 $0x15500  }
0x3e: {  	[tilespmem:s21], [sflag:$0x1] =	stream.linear.gather [hbm4b:s2+s0], $0x1900, $0x38;
	[tilespmem:$0x1A000] =	vst v63  }
.LBB2_16:
0x3f: {  	s0 =	sadd.s32 $0x1, s0  }
0x40: {  	p0 =	sne.s32 s0, $0x19  }
.Ltmp4:
0x41: {  	_ = 	snop;
	(pc) =	sbr.rel @!p0 .LBB2_17-.Ltmp4, $1  }
0x42: {  	_ =	sdelay $0x3  }
.LBB2_4:
0x43: {  	s1 =	smul.u32 $0x3200, s0;
	_ =	sdelay $0x1  }
0x44: {  	s5 =	sshrl.u32 s1, $0x3  }
0x45: {  	s5 =	sadd.s32 $0x320, s5  }
0x46: {  	s6 =	sadd.s32 s4, s5  }
0x47: {  	[tilespmem:s22], [sflag:$0x2] =	stream.linear.gather [hbm4b:s6+s3], $0x1900, $0x38;
	[tilespmem:$0x1A000] =	vst v63  }
0x48: {  	s5 =	sadd.s32 s2, s5  }
0x49: {  	[tilespmem:s23], [sflag:$0x2] =	stream.linear.gather [hbm4b:s5+s3], $0x1900, $0x38;
	[tilespmem:$0x1A000] =	vst v63  }
0x4a: {  	_ =	swait.ge [sflag:s24], $0x1900  }
0x4b: {  	[sflag:s24] =	ssyncset.done $0x0  }
0x4c: {  	[sflag:s24] =	ssyncadd.s32 $0xFFFFE700  }
0x4d: {  	_ =	swait.ge [sflag:s24], $0x1900  }
0x4e: {  	[sflag:s24] =	ssyncset.done $0x0  }
0x4f: {  	s20 =	simm.s32 $0x15510;
	[sflag:s24] =	ssyncadd.s32 $0xFFFFE700  }
0x50: {  	v9 =	vld [tilespmem:s20+$0xFFFFFFF0];
	_ =	sdelay $0x1  }
0x51: {  	s21 =	simm.s32 $0x13C10  }
0x52: {  	v3 =	vld [tilespmem:s21+$0xFFFFFFF0];
	_ =	sdelay $0x4  }
0x53: {  	v6 =	vld.idx.msk [tilespmem:v9+s29+$0x0], $0xffff  }
0x54: {  	v7 =	vld.idx.msk [tilespmem:v9+s26+$0x0], $0xffff  }
0x55: {  	v8 =	vld.idx.msk [tilespmem:v9+s28+$0x0], $0xffff  }
0x56: {  	v2 =	vld.idx.msk [tilespmem:v3+s3+$0x0], $0xffff  }
0x57: {  	v10 =	vld.idx.msk [tilespmem:v9+s25+$0x0], $0xffff  }
0x58: {  	v5 =	vld.idx.msk [tilespmem:v3+s17+$0x0], $0xffff  }
0x59: {  	v4 =	vld.idx.msk [tilespmem:v3+s18+$0x0], $0xffff  }
0x5a: {  	v3 =	vld.idx.msk [tilespmem:v3+s19+$0x0], $0xffff;
	_ =	sdelay $0x1  }
0x5b: {  	v10 =	vmin.f32 v10, v2  }
0x5c: {  	v7 =	vmin.f32 v7, v5;
	[tilespmem:v9+s25+$0x0] =	vst.idx.msk $0xffff, v10  }
0x5d: {  	[tilespmem:v9+s26+$0x0] =	vst.idx.msk $0xffff, v7;
	v7 =	vmin.f32 v8, v4  }
0x5e: {  	v6 =	vmin.f32 v6, v3;
	[tilespmem:v9+s28+$0x0] =	vst.idx.msk $0xffff, v7  }
0x5f: {  	[tilespmem:v9+s29+$0x0] =	vst.idx.msk $0xffff, v6  }
0x60: {  	v6 =	vld.idx.msk [tilespmem:v9+s25+$0x0], $0xffff  }
0x61: {  	v7 =	vld.idx.msk [tilespmem:v9+s26+$0x0], $0xffff  }
0x62: {  	v8 =	vld.idx.msk [tilespmem:v9+s28+$0x0], $0xffff  }
0x63: {  	v10 =	vld.idx.msk [tilespmem:v9+s29+$0x0], $0xffff;
	_ =	sdelay $0x1  }
0x64: {  	vm1 =	vlt.f32 v2, v6  }
0x65: {  	vm2 =	vlt.f32 v5, v7  }
0x66: {  	vm3 =	vlt.f32 v4, v8  }
0x67: {  	vm4 =	vlt.f32 v3, v10;
	_ =	sdelay $0x1  }
0x68: {  	v6 =	vmin.f32 v6, v2  }
0x69: {  	v7 =	vmin.f32 v7, v5;
	[tilespmem:v9+s25+$0x0] =	vst.idx.msk vm1, v6  }
0x6a: {  	v6 =	vmin.f32 v8, v4;
	[tilespmem:v9+s26+$0x0] =	vst.idx.msk vm2, v7  }
0x6b: {  	[tilespmem:v9+s28+$0x0] =	vst.idx.msk vm3, v6;
	v6 =	vmin.f32 v10, v3  }
0x6c: {  	[tilespmem:v9+s29+$0x0] =	vst.idx.msk vm4, v6  }
0x6d: {  	v11 =	vld [tilespmem:s21+$0x0]  }
0x6e: {  	v6 =	vld [tilespmem:s20+$0x0]  }
0x6f: {  	v7 =	vld.idx.msk [tilespmem:v9+s25+$0x0], $0xffff  }
0x70: {  	v10 =	vld.idx.msk [tilespmem:v9+s26+$0x0], $0xffff  }
0x71: {  	s6 =	simm.s32 $0x2;
	v8 =	vld.idx.msk [tilespmem:v9+s28+$0x0], $0xffff  }
0x72: {  	s5 =	simm.s32 $0x13C30;
	vm1 =	vmmov vm0;
	s20 =	simm.s32 $0x15530;
	v9 =	vld.idx.msk [tilespmem:v9+s29+$0x0], $0xffff;
	s21 =	simm.s32 $0x13C30  }
.LBB2_5:
0x73: {  	_ =	sdelay $0x1  }
0x74: {  	s6 =	sadd.s32 $0x2, s6;
	v12 =	vld.idx.msk [tilespmem:v11+s3+$0x0], $0xffff  }
0x75: {  	p0 =	slt.u32 s6, $0x18E;
	vm2 =	vlt.f32 v2, v7;
	v2 =	vld.idx.msk [tilespmem:v6+s25+$0x0], $0xffff;
	vm3 =	vlt.f32 v5, v10  }
0x76: {  	vm2 =	vmor vm2, vm3;
	vm3 =	vlt.f32 v4, v8;
	v4 =	vld.idx.msk [tilespmem:v6+s26+$0x0], $0xffff  }
0x77: {  	vm2 =	vmor vm2, vm3;
	vm3 =	vlt.f32 v3, v9;
	v3 =	vld.idx.msk [tilespmem:v6+s28+$0x0], $0xffff  }
0x78: {  	v5 =	vld.idx.msk [tilespmem:v6+s29+$0x0], $0xffff  }
0x79: {  	v7 =	vld.idx.msk [tilespmem:v11+s17+$0x0], $0xffff  }
0x7a: {  	v8 =	vld.idx.msk [tilespmem:v11+s18+$0x0], $0xffff  }
0x7b: {  	v2 =	vmin.f32 v2, v12;
	v9 =	vld.idx.msk [tilespmem:v11+s19+$0x0], $0xffff  }
0x7c: {  	[tilespmem:v6+s25+$0x0] =	vst.idx.msk $0xffff, v2;
	_ =	sdelay $0x2  }
0x7d: {  	v2 =	vmin.f32 v4, v7  }
0x7e: {  	[tilespmem:v6+s26+$0x0] =	vst.idx.msk $0xffff, v2;
	v2 =	vmin.f32 v3, v8  }
0x7f: {  	[tilespmem:v6+s28+$0x0] =	vst.idx.msk $0xffff, v2;
	v2 =	vmin.f32 v5, v9  }
0x80: {  	[tilespmem:v6+s29+$0x0] =	vst.idx.msk $0xffff, v2  }
0x81: {  	v2 =	vld.idx.msk [tilespmem:v6+s25+$0x0], $0xffff  }
0x82: {  	v3 =	vld.idx.msk [tilespmem:v6+s26+$0x0], $0xffff  }
0x83: {  	v4 =	vld.idx.msk [tilespmem:v6+s28+$0x0], $0xffff  }
0x84: {  	v5 =	vld.idx.msk [tilespmem:v6+s29+$0x0], $0xffff;
	_ =	sdelay $0x2  }
0x85: {  	v10 =	vmin.f32 v2, v12;
	vm4 =	vlt.f32 v12, v2  }
0x86: {  	v2 =	vmin.f32 v3, v7;
	vm5 =	vlt.f32 v7, v3  }
0x87: {  	vm6 =	vlt.f32 v8, v4  }
0x88: {  	vm7 =	vlt.f32 v9, v5;
	_ =	sdelay $0x2  }
0x89: {  	[tilespmem:v6+s25+$0x0] =	vst.idx.msk vm4, v10  }
0x8a: {  	[tilespmem:v6+s26+$0x0] =	vst.idx.msk vm5, v2;
	v2 =	vmin.f32 v4, v8  }
0x8b: {  	[tilespmem:v6+s28+$0x0] =	vst.idx.msk vm6, v2;
	v2 =	vmin.f32 v5, v9  }
0x8c: {  	[tilespmem:v6+s29+$0x0] =	vst.idx.msk vm7, v2  }
0x8d: {  	v13 =	vld [tilespmem:s20+$0xFFFFFFF0]  }
0x8e: {  	v3 =	vld [tilespmem:s5+$0xFFFFFFF0]  }
0x8f: {  	v2 =	vld.idx.msk [tilespmem:v6+s25+$0x0], $0xffff  }
0x90: {  	v4 =	vld.idx.msk [tilespmem:v6+s26+$0x0], $0xffff  }
0x91: {  	v5 =	vld.idx.msk [tilespmem:v6+s28+$0x0], $0xffff  }
0x92: {  	v6 =	vld.idx.msk [tilespmem:v6+s29+$0x0], $0xffff;
	_ =	sdelay $0x2  }
0x93: {  	vm2 =	vmor vm2, vm3;
	vm3 =	vlt.f32 v12, v2  }
0x94: {  	vm2 =	vmor vm2, vm3;
	vm3 =	vlt.f32 v7, v4;
	v10 =	vld.idx.msk [tilespmem:v13+s29+$0x0], $0xffff  }
0x95: {  	vm2 =	vmor vm2, vm3;
	vm3 =	vlt.f32 v8, v5;
	v7 =	vld.idx.msk [tilespmem:v13+s26+$0x0], $0xffff  }
0x96: {  	vm2 =	vmor vm2, vm3;
	vm3 =	vlt.f32 v9, v6;
	v8 =	vld.idx.msk [tilespmem:v13+s28+$0x0], $0xffff  }
0x97: {  	vm2 =	vmor vm2, vm3;
	v2 =	vld.idx.msk [tilespmem:v3+s3+$0x0], $0xffff  }
0x98: {  	vm1 =	vmor vm1, vm2;
	v6 =	vld.idx.msk [tilespmem:v13+s25+$0x0], $0xffff  }
0x99: {  	v5 =	vld.idx.msk [tilespmem:v3+s17+$0x0], $0xffff  }
0x9a: {  	v4 =	vld.idx.msk [tilespmem:v3+s18+$0x0], $0xffff  }
0x9b: {  	v3 =	vld.idx.msk [tilespmem:v3+s19+$0x0], $0xffff;
	_ =	sdelay $0x2  }
0x9c: {  	v6 =	vmin.f32 v6, v2  }
0x9d: {  	[tilespmem:v13+s25+$0x0] =	vst.idx.msk $0xffff, v6;
	v6 =	vmin.f32 v7, v5  }
0x9e: {  	[tilespmem:v13+s26+$0x0] =	vst.idx.msk $0xffff, v6;
	v6 =	vmin.f32 v8, v4  }
0x9f: {  	[tilespmem:v13+s28+$0x0] =	vst.idx.msk $0xffff, v6;
	v6 =	vmin.f32 v10, v3  }
0xa0: {  	[tilespmem:v13+s29+$0x0] =	vst.idx.msk $0xffff, v6  }
0xa1: {  	v6 =	vld.idx.msk [tilespmem:v13+s25+$0x0], $0xffff  }
0xa2: {  	v7 =	vld.idx.msk [tilespmem:v13+s26+$0x0], $0xffff  }
0xa3: {  	v8 =	vld.idx.msk [tilespmem:v13+s28+$0x0], $0xffff  }
0xa4: {  	v9 =	vld.idx.msk [tilespmem:v13+s29+$0x0], $0xffff;
	_ =	sdelay $0x2  }
0xa5: {  	v10 =	vmin.f32 v6, v2;
	vm2 =	vlt.f32 v2, v6  }
0xa6: {  	v6 =	vmin.f32 v7, v5;
	vm3 =	vlt.f32 v5, v7  }
0xa7: {  	vm4 =	vlt.f32 v4, v8  }
0xa8: {  	vm5 =	vlt.f32 v3, v9;
	_ =	sdelay $0x2  }
0xa9: {  	s5 =	sadd.s32 $0x20, s5;
	[tilespmem:v13+s25+$0x0] =	vst.idx.msk vm2, v10  }
0xaa: {  	[tilespmem:v13+s26+$0x0] =	vst.idx.msk vm3, v6;
	v6 =	vmin.f32 v8, v4  }
0xab: {  	[tilespmem:v13+s28+$0x0] =	vst.idx.msk vm4, v6;
	v6 =	vmin.f32 v9, v3  }
0xac: {  	[tilespmem:v13+s29+$0x0] =	vst.idx.msk vm5, v6  }
0xad: {  	v11 =	vld [tilespmem:s21+$0x0];
	s21 =	smov.u32 s5  }
.Ltmp5:
0xae: {  	v6 =	vld [tilespmem:s20+$0x0];
	(pc) =	sbr.rel @p0 .LBB2_5-.Ltmp5, $4  }
0xaf: {  	v7 =	vld.idx.msk [tilespmem:v13+s25+$0x0], $0xffff  }
0xb0: {  	s20 =	sadd.s32 $0x20, s20;
	v10 =	vld.idx.msk [tilespmem:v13+s26+$0x0], $0xffff  }
0xb1: {  	v8 =	vld.idx.msk [tilespmem:v13+s28+$0x0], $0xffff  }
0xb2: {  	v9 =	vld.idx.msk [tilespmem:v13+s29+$0x0], $0xffff  }
0xb3: {  	_ =	sdelay $0x3  }
0xb4: {  	v12 =	vld.idx.msk [tilespmem:v11+s3+$0x0], $0xffff  }
0xb5: {  	v13 =	vld.idx.msk [tilespmem:v6+s25+$0x0], $0xffff  }
0xb6: {  	v14 =	vld.idx.msk [tilespmem:v6+s26+$0x0], $0xffff  }
0xb7: {  	v15 =	vld.idx.msk [tilespmem:v6+s28+$0x0], $0xffff  }
0xb8: {  	v16 =	vld.idx.msk [tilespmem:v6+s29+$0x0], $0xffff  }
0xb9: {  	v17 =	vld.idx.msk [tilespmem:v11+s17+$0x0], $0xffff  }
0xba: {  	v18 =	vld.idx.msk [tilespmem:v11+s18+$0x0], $0xffff  }
0xbb: {  	v11 =	vld.idx.msk [tilespmem:v11+s19+$0x0], $0xffff;
	_ =	sdelay $0x1  }
0xbc: {  	v13 =	vmin.f32 v13, v12  }
0xbd: {  	v36 =	vmin.f32 v14, v17;
	[tilespmem:v6+s25+$0x0] =	vst.idx.msk $0xffff, v13  }
0xbe: {  	v37 =	vmin.f32 v15, v18;
	[tilespmem:v6+s26+$0x0] =	vst.idx.msk $0xffff, v36  }
0xbf: {  	v38 =	vmin.f32 v16, v11;
	[tilespmem:v6+s28+$0x0] =	vst.idx.msk $0xffff, v37  }
0xc0: {  	[tilespmem:v6+s29+$0x0] =	vst.idx.msk $0xffff, v38  }
0xc1: {  	v13 =	vld.idx.msk [tilespmem:v6+s25+$0x0], $0xffff  }
0xc2: {  	v39 =	vld.idx.msk [tilespmem:v6+s26+$0x0], $0xffff  }
0xc3: {  	v40 =	vld.idx.msk [tilespmem:v6+s28+$0x0], $0xffff  }
0xc4: {  	v41 =	vld.idx.msk [tilespmem:v6+s29+$0x0], $0xffff;
	_ =	sdelay $0x1  }
0xc5: {  	vm2 =	vlt.f32 v12, v13  }
0xc6: {  	vm3 =	vlt.f32 v17, v39  }
0xc7: {  	vm4 =	vlt.f32 v18, v40  }
0xc8: {  	vm5 =	vlt.f32 v11, v41;
	_ =	sdelay $0x1  }
0xc9: {  	v13 =	vmin.f32 v13, v12  }
0xca: {  	v14 =	vmin.f32 v39, v17;
	[tilespmem:v6+s25+$0x0] =	vst.idx.msk vm2, v13  }
0xcb: {  	v42 =	vmin.f32 v40, v18;
	[tilespmem:v6+s26+$0x0] =	vst.idx.msk vm3, v14  }
0xcc: {  	v43 =	vmin.f32 v41, v11;
	[tilespmem:v6+s28+$0x0] =	vst.idx.msk vm4, v42  }
0xcd: {  	[tilespmem:v6+s29+$0x0] =	vst.idx.msk vm5, v43  }
0xce: {  	v13 =	vld [tilespmem:s20+$0xFFFFFFF0];
	_ =	sdelay $0x2  }
0xcf: {  	v14 =	vld [tilespmem:s5+$0xFFFFFFF0];
	_ =	sdelay $0x3  }
0xd0: {  	v44 =	vld.idx.msk [tilespmem:v6+s25+$0x0], $0xffff  }
0xd1: {  	v19 =	vld.idx.msk [tilespmem:v13+s29+$0x0], $0xffff  }
0xd2: {  	v20 =	vld.idx.msk [tilespmem:v13+s26+$0x0], $0xffff  }
0xd3: {  	v21 =	vld.idx.msk [tilespmem:v13+s28+$0x0], $0xffff  }
0xd4: {  	v22 =	vld.idx.msk [tilespmem:v14+s3+$0x0], $0xffff  }
0xd5: {  	v23 =	vld.idx.msk [tilespmem:v13+s25+$0x0], $0xffff  }
0xd6: {  	v24 =	vld.idx.msk [tilespmem:v14+s17+$0x0], $0xffff  }
0xd7: {  	v25 =	vld.idx.msk [tilespmem:v14+s18+$0x0], $0xffff  }
0xd8: {  	v14 =	vld.idx.msk [tilespmem:v14+s19+$0x0], $0xffff  }
0xd9: {  	v45 =	vld.idx.msk [tilespmem:v6+s26+$0x0], $0xffff  }
0xda: {  	v26 =	vld.idx.msk [tilespmem:v6+s28+$0x0], $0xffff;
	v23 =	vmin.f32 v23, v22  }
0xdb: {  	v46 =	vld.idx.msk [tilespmem:v6+s29+$0x0], $0xffff;
	v20 =	vmin.f32 v20, v24;
	[tilespmem:v13+s25+$0x0] =	vst.idx.msk $0xffff, v23  }
0xdc: {  	v47 =	vmin.f32 v21, v25;
	[tilespmem:v13+s26+$0x0] =	vst.idx.msk $0xffff, v20  }
0xdd: {  	v19 =	vmin.f32 v19, v14;
	[tilespmem:v13+s28+$0x0] =	vst.idx.msk $0xffff, v47  }
0xde: {  	[tilespmem:v13+s29+$0x0] =	vst.idx.msk $0xffff, v19  }
0xdf: {  	v19 =	vld.idx.msk [tilespmem:v13+s25+$0x0], $0xffff  }
0xe0: {  	v20 =	vld.idx.msk [tilespmem:v13+s26+$0x0], $0xffff  }
0xe1: {  	v48 =	vld.idx.msk [tilespmem:v13+s28+$0x0], $0xffff  }
0xe2: {  	v23 =	vld.idx.msk [tilespmem:v13+s29+$0x0], $0xffff;
	_ =	sdelay $0x1  }
0xe3: {  	vm2 =	vlt.f32 v22, v19  }
0xe4: {  	vm3 =	vlt.f32 v24, v20  }
0xe5: {  	vm9 =	vlt.f32 v25, v48  }
0xe6: {  	vm10 =	vlt.f32 v14, v23;
	_ =	sdelay $0x1  }
0xe7: {  	v19 =	vmin.f32 v19, v22  }
0xe8: {  	v20 =	vmin.f32 v20, v24;
	[tilespmem:v13+s25+$0x0] =	vst.idx.msk vm2, v19  }
0xe9: {  	v49 =	vmin.f32 v48, v25;
	[tilespmem:v13+s26+$0x0] =	vst.idx.msk vm3, v20  }
0xea: {  	v50 =	vmin.f32 v23, v14;
	[tilespmem:v13+s28+$0x0] =	vst.idx.msk vm9, v49  }
0xeb: {  	[tilespmem:v13+s29+$0x0] =	vst.idx.msk vm10, v50  }
0xec: {  	v19 =	vld [tilespmem:s21+$0x0]  }
0xed: {  	v20 =	vld [tilespmem:s20+$0x0];
	_ =	sdelay $0x5  }
0xee: {  	v51 =	vld.idx.msk [tilespmem:v13+s25+$0x0], $0xffff  }
0xef: {  	v27 =	vld.idx.msk [tilespmem:v19+s3+$0x0], $0xffff  }
0xf0: {  	v28 =	vld.idx.msk [tilespmem:v20+s25+$0x0], $0xffff  }
0xf1: {  	v29 =	vld.idx.msk [tilespmem:v20+s26+$0x0], $0xffff  }
0xf2: {  	v30 =	vld.idx.msk [tilespmem:v20+s28+$0x0], $0xffff  }
0xf3: {  	v31 =	vld.idx.msk [tilespmem:v20+s29+$0x0], $0xffff  }
0xf4: {  	v32 =	vld.idx.msk [tilespmem:v19+s17+$0x0], $0xffff  }
0xf5: {  	v33 =	vld.idx.msk [tilespmem:v19+s18+$0x0], $0xffff  }
0xf6: {  	v19 =	vld.idx.msk [tilespmem:v19+s19+$0x0], $0xffff  }
0xf7: {  	v52 =	vld.idx.msk [tilespmem:v13+s26+$0x0], $0xffff  }
0xf8: {  	v34 =	vld.idx.msk [tilespmem:v13+s28+$0x0], $0xffff;
	v28 =	vmin.f32 v28, v27  }
0xf9: {  	v13 =	vld.idx.msk [tilespmem:v13+s29+$0x0], $0xffff;
	v53 =	vmin.f32 v29, v32;
	[tilespmem:v20+s25+$0x0] =	vst.idx.msk $0xffff, v28  }
0xfa: {  	v54 =	vmin.f32 v30, v33;
	[tilespmem:v20+s26+$0x0] =	vst.idx.msk $0xffff, v53  }
0xfb: {  	v55 =	vmin.f32 v31, v19;
	[tilespmem:v20+s28+$0x0] =	vst.idx.msk $0xffff, v54  }
0xfc: {  	[tilespmem:v20+s29+$0x0] =	vst.idx.msk $0xffff, v55  }
0xfd: {  	v28 =	vld.idx.msk [tilespmem:v20+s25+$0x0], $0xffff  }
0xfe: {  	v56 =	vld.idx.msk [tilespmem:v20+s26+$0x0], $0xffff  }
0xff: {  	v57 =	vld.idx.msk [tilespmem:v20+s28+$0x0], $0xffff  }
0x100: {  	v58 =	vld.idx.msk [tilespmem:v20+s29+$0x0], $0xffff;
	_ =	sdelay $0x1  }
0x101: {  	vm2 =	vlt.f32 v27, v28  }
0x102: {  	vm3 =	vlt.f32 v32, v56  }
0x103: {  	vm11 =	vlt.f32 v33, v57  }
0x104: {  	vm12 =	vlt.f32 v19, v58;
	_ =	sdelay $0x1  }
0x105: {  	v28 =	vmin.f32 v28, v27  }
0x106: {  	v59 =	vmin.f32 v56, v32;
	[tilespmem:v20+s25+$0x0] =	vst.idx.msk vm2, v28  }
0x107: {  	v60 =	vmin.f32 v57, v33;
	[tilespmem:v20+s26+$0x0] =	vst.idx.msk vm3, v59  }
0x108: {  	v61 =	vmin.f32 v58, v19;
	[tilespmem:v20+s28+$0x0] =	vst.idx.msk vm11, v60  }
0x109: {  	vm13 =	vlt.f32 v4, v8;
	vm14 =	vlt.f32 v3, v9;
	[tilespmem:v20+s29+$0x0] =	vst.idx.msk vm12, v61  }
0x10a: {  	vm6 =	vlt.f32 v17, v45;
	vm2 =	vlt.f32 v2, v7;
	vm3 =	vlt.f32 v5, v10;
	v2 =	vld.idx.msk [tilespmem:v20+s25+$0x0], $0xffff  }
0x10b: {  	vm9 =	vlt.f32 v18, v26;
	vm15 =	vlt.f32 v22, v51;
	vm2 =	vmor vm2, vm3;
	v3 =	vld.idx.msk [tilespmem:v20+s26+$0x0], $0xffff  }
0x10c: {  	vm7 =	vlt.f32 v24, v52;
	vm10 =	vlt.f32 v25, v34;
	vm2 =	vmor vm2, vm13;
	v62 =	vld.idx.msk [tilespmem:v20+s28+$0x0], $0xffff  }
0x10d: {  	vm4 =	vmor vm15, vm7;
	vm3 =	vlt.f32 v12, v44;
	vm2 =	vmor vm2, vm14;
	v63 =	vld.idx.msk [tilespmem:v20+s29+$0x0], $0xffff  }
0x10e: {  	vm4 =	vmor vm4, vm10;
	vm2 =	vmor vm2, vm3;
	vm3 =	vlt.f32 v14, v13  }
0x10f: {  	vm13 =	vlt.f32 v11, v46;
	vm3 =	vmor vm4, vm3;
	vm11 =	vlt.f32 v27, v2  }
0x110: {  	vm2 =	vmor vm2, vm6;
	vm12 =	vlt.f32 v32, v3;
	vm3 =	vmor vm3, vm11  }
0x111: {  	vm2 =	vmor vm2, vm9;
	vm14 =	vlt.f32 v33, v62;
	vm3 =	vmor vm3, vm12  }
0x112: {  	vm2 =	vmor vm2, vm13;
	vm15 =	vlt.f32 v19, v63;
	vm3 =	vmor vm3, vm14  }
0x113: {  	vm1 =	vmor vm1, vm2;
	vm2 =	vmor vm3, vm15  }
0x114: {  	vm1 =	vmor vm1, vm2  }
0x115: {  	v2 =	vsel vm1, $0x3F800000, v1  }
0x116: {  	(xrf0) =	vmax.scan.msk.f32 $0xffff, v2;
	_ =	sdelay $0x5  }
0x117: {  	v2, _, _ =	vpop (xrf0)  }
0x118: {  	(v2sf) =	vpush v2, $0xF;
	_ =	sdelay $0xe  }
0x119: {  	s21 =	spop (v2sf)  }
0x11a: {  	p0 =	sgt.f32 s21, $0.0e+00  }
.Ltmp6:
0x11b: {  	_ = 	snop;
	(pc) =	sbr.rel @p0 .LBB2_7-.Ltmp6, $2  }
0x11c: {  	_ =	sdelay $0x2  }
0x11d: {  	s5 =	simm.s32 $0x0  }
.LBB2_10:
0x11e: {  	p0 =	seq.s32 s0, $0x18  }
0x11f: {  	s1 =	sshrl.u32 @!p0 s1, $0x3  }
0x120: {  	s1 =	sadd.s32 @!p0 $0x640, s1  }
0x121: {  	s6 =	simm.s32 @!p0 $0x0;
	s20 =	simm.s32 @!p0 $0x13C00;
	s5 =	sadd.s32 @!p0 s4, s1  }
0x122: {  	[tilespmem:s20], [sflag:$0x1] =	stream.linear.gather @!p0 [hbm4b:s5+s6], $0x1900, $0x38;
	[tilespmem:$0x1A000] =	vst v63  }
0x123: {  	s1 =	sadd.s32 @!p0 s2, s1;
	s5 =	simm.s32 @!p0 $0x15500  }
0x124: {  	[tilespmem:s5], [sflag:$0x1] =	stream.linear.gather @!p0 [hbm4b:s1+s6], $0x1900, $0x38;
	[tilespmem:$0x1A000] =	vst v63  }
0x125: {  	_ =	swait.ge [sflag:s30], $0x1900  }
0x126: {  	[sflag:s30] =	ssyncset.done $0x0  }
0x127: {  	[sflag:s30] =	ssyncadd.s32 $0xFFFFE700  }
0x128: {  	_ =	swait.ge [sflag:s30], $0x1900  }
0x129: {  	[sflag:s30] =	ssyncset.done $0x0  }
0x12a: {  	s20 =	simm.s32 $0x18710;
	[sflag:s30] =	ssyncadd.s32 $0xFFFFE700  }
0x12b: {  	v9 =	vld [tilespmem:s20+$0xFFFFFFF0];
	_ =	sdelay $0x1  }
0x12c: {  	s21 =	simm.s32 $0x16E10  }
0x12d: {  	v3 =	vld [tilespmem:s21+$0xFFFFFFF0];
	_ =	sdelay $0x4  }
0x12e: {  	v6 =	vld.idx.msk [tilespmem:v9+s29+$0x0], $0xffff  }
0x12f: {  	v7 =	vld.idx.msk [tilespmem:v9+s26+$0x0], $0xffff  }
0x130: {  	v8 =	vld.idx.msk [tilespmem:v9+s28+$0x0], $0xffff  }
0x131: {  	v2 =	vld.idx.msk [tilespmem:v3+s3+$0x0], $0xffff  }
0x132: {  	v10 =	vld.idx.msk [tilespmem:v9+s25+$0x0], $0xffff  }
0x133: {  	v5 =	vld.idx.msk [tilespmem:v3+s17+$0x0], $0xffff  }
0x134: {  	v4 =	vld.idx.msk [tilespmem:v3+s18+$0x0], $0xffff  }
0x135: {  	v3 =	vld.idx.msk [tilespmem:v3+s19+$0x0], $0xffff;
	_ =	sdelay $0x1  }
0x136: {  	v10 =	vmin.f32 v10, v2  }
0x137: {  	v7 =	vmin.f32 v7, v5;
	[tilespmem:v9+s25+$0x0] =	vst.idx.msk $0xffff, v10  }
0x138: {  	[tilespmem:v9+s26+$0x0] =	vst.idx.msk $0xffff, v7;
	v7 =	vmin.f32 v8, v4  }
0x139: {  	v6 =	vmin.f32 v6, v3;
	[tilespmem:v9+s28+$0x0] =	vst.idx.msk $0xffff, v7  }
0x13a: {  	[tilespmem:v9+s29+$0x0] =	vst.idx.msk $0xffff, v6  }
0x13b: {  	v6 =	vld.idx.msk [tilespmem:v9+s25+$0x0], $0xffff  }
0x13c: {  	v7 =	vld.idx.msk [tilespmem:v9+s26+$0x0], $0xffff  }
0x13d: {  	v8 =	vld.idx.msk [tilespmem:v9+s28+$0x0], $0xffff  }
0x13e: {  	v10 =	vld.idx.msk [tilespmem:v9+s29+$0x0], $0xffff;
	_ =	sdelay $0x1  }
0x13f: {  	vm1 =	vlt.f32 v2, v6  }
0x140: {  	vm2 =	vlt.f32 v5, v7  }
0x141: {  	vm3 =	vlt.f32 v4, v8  }
0x142: {  	vm4 =	vlt.f32 v3, v10;
	_ =	sdelay $0x1  }
0x143: {  	v6 =	vmin.f32 v6, v2  }
0x144: {  	v7 =	vmin.f32 v7, v5;
	[tilespmem:v9+s25+$0x0] =	vst.idx.msk vm1, v6  }
0x145: {  	v6 =	vmin.f32 v8, v4;
	[tilespmem:v9+s26+$0x0] =	vst.idx.msk vm2, v7  }
0x146: {  	[tilespmem:v9+s28+$0x0] =	vst.idx.msk vm3, v6;
	v6 =	vmin.f32 v10, v3  }
0x147: {  	[tilespmem:v9+s29+$0x0] =	vst.idx.msk vm4, v6  }
0x148: {  	v11 =	vld [tilespmem:s21+$0x0]  }
0x149: {  	v6 =	vld [tilespmem:s20+$0x0]  }
0x14a: {  	v7 =	vld.idx.msk [tilespmem:v9+s25+$0x0], $0xffff  }
0x14b: {  	v10 =	vld.idx.msk [tilespmem:v9+s26+$0x0], $0xffff  }
0x14c: {  	s6 =	simm.s32 $0x2;
	v8 =	vld.idx.msk [tilespmem:v9+s28+$0x0], $0xffff  }
0x14d: {  	s5 =	simm.s32 $0x16E30;
	s1 =	simm.s32 $0x18730;
	vm1 =	vmmov vm0;
	v9 =	vld.idx.msk [tilespmem:v9+s29+$0x0], $0xffff;
	s20 =	simm.s32 $0x16E30  }
.LBB2_11:
0x14e: {  	_ =	sdelay $0x1  }
0x14f: {  	s6 =	sadd.s32 $0x2, s6;
	v12 =	vld.idx.msk [tilespmem:v11+s3+$0x0], $0xffff  }
0x150: {  	p0 =	slt.u32 s6, $0x18E;
	vm2 =	vlt.f32 v2, v7;
	v2 =	vld.idx.msk [tilespmem:v6+s25+$0x0], $0xffff;
	vm3 =	vlt.f32 v5, v10  }
0x151: {  	vm2 =	vmor vm2, vm3;
	vm3 =	vlt.f32 v4, v8;
	v4 =	vld.idx.msk [tilespmem:v6+s26+$0x0], $0xffff  }
0x152: {  	vm2 =	vmor vm2, vm3;
	vm3 =	vlt.f32 v3, v9;
	v3 =	vld.idx.msk [tilespmem:v6+s28+$0x0], $0xffff  }
0x153: {  	v5 =	vld.idx.msk [tilespmem:v6+s29+$0x0], $0xffff  }
0x154: {  	v7 =	vld.idx.msk [tilespmem:v11+s17+$0x0], $0xffff  }
0x155: {  	v8 =	vld.idx.msk [tilespmem:v11+s18+$0x0], $0xffff  }
0x156: {  	v2 =	vmin.f32 v2, v12;
	v9 =	vld.idx.msk [tilespmem:v11+s19+$0x0], $0xffff  }
0x157: {  	[tilespmem:v6+s25+$0x0] =	vst.idx.msk $0xffff, v2;
	_ =	sdelay $0x2  }
0x158: {  	v2 =	vmin.f32 v4, v7  }
0x159: {  	[tilespmem:v6+s26+$0x0] =	vst.idx.msk $0xffff, v2;
	v2 =	vmin.f32 v3, v8  }
0x15a: {  	[tilespmem:v6+s28+$0x0] =	vst.idx.msk $0xffff, v2;
	v2 =	vmin.f32 v5, v9  }
0x15b: {  	[tilespmem:v6+s29+$0x0] =	vst.idx.msk $0xffff, v2  }
0x15c: {  	v2 =	vld.idx.msk [tilespmem:v6+s25+$0x0], $0xffff  }
0x15d: {  	v3 =	vld.idx.msk [tilespmem:v6+s26+$0x0], $0xffff  }
0x15e: {  	v4 =	vld.idx.msk [tilespmem:v6+s28+$0x0], $0xffff  }
0x15f: {  	v5 =	vld.idx.msk [tilespmem:v6+s29+$0x0], $0xffff;
	_ =	sdelay $0x2  }
0x160: {  	v10 =	vmin.f32 v2, v12;
	vm4 =	vlt.f32 v12, v2  }
0x161: {  	v2 =	vmin.f32 v3, v7;
	vm5 =	vlt.f32 v7, v3  }
0x162: {  	vm6 =	vlt.f32 v8, v4  }
0x163: {  	vm7 =	vlt.f32 v9, v5;
	_ =	sdelay $0x2  }
0x164: {  	[tilespmem:v6+s25+$0x0] =	vst.idx.msk vm4, v10  }
0x165: {  	[tilespmem:v6+s26+$0x0] =	vst.idx.msk vm5, v2;
	v2 =	vmin.f32 v4, v8  }
0x166: {  	[tilespmem:v6+s28+$0x0] =	vst.idx.msk vm6, v2;
	v2 =	vmin.f32 v5, v9  }
0x167: {  	[tilespmem:v6+s29+$0x0] =	vst.idx.msk vm7, v2  }
0x168: {  	v13 =	vld [tilespmem:s1+$0xFFFFFFF0]  }
0x169: {  	v3 =	vld [tilespmem:s5+$0xFFFFFFF0]  }
0x16a: {  	v2 =	vld.idx.msk [tilespmem:v6+s25+$0x0], $0xffff  }
0x16b: {  	v4 =	vld.idx.msk [tilespmem:v6+s26+$0x0], $0xffff  }
0x16c: {  	v5 =	vld.idx.msk [tilespmem:v6+s28+$0x0], $0xffff  }
0x16d: {  	v6 =	vld.idx.msk [tilespmem:v6+s29+$0x0], $0xffff;
	_ =	sdelay $0x2  }
0x16e: {  	vm2 =	vmor vm2, vm3;
	vm3 =	vlt.f32 v12, v2  }
0x16f: {  	vm2 =	vmor vm2, vm3;
	vm3 =	vlt.f32 v7, v4;
	v10 =	vld.idx.msk [tilespmem:v13+s29+$0x0], $0xffff  }
0x170: {  	vm2 =	vmor vm2, vm3;
	vm3 =	vlt.f32 v8, v5;
	v7 =	vld.idx.msk [tilespmem:v13+s26+$0x0], $0xffff  }
0x171: {  	vm2 =	vmor vm2, vm3;
	vm3 =	vlt.f32 v9, v6;
	v8 =	vld.idx.msk [tilespmem:v13+s28+$0x0], $0xffff  }
0x172: {  	vm2 =	vmor vm2, vm3;
	v2 =	vld.idx.msk [tilespmem:v3+s3+$0x0], $0xffff  }
0x173: {  	vm1 =	vmor vm1, vm2;
	v6 =	vld.idx.msk [tilespmem:v13+s25+$0x0], $0xffff  }
0x174: {  	v5 =	vld.idx.msk [tilespmem:v3+s17+$0x0], $0xffff  }
0x175: {  	v4 =	vld.idx.msk [tilespmem:v3+s18+$0x0], $0xffff  }
0x176: {  	v3 =	vld.idx.msk [tilespmem:v3+s19+$0x0], $0xffff;
	_ =	sdelay $0x2  }
0x177: {  	v6 =	vmin.f32 v6, v2  }
0x178: {  	[tilespmem:v13+s25+$0x0] =	vst.idx.msk $0xffff, v6;
	v6 =	vmin.f32 v7, v5  }
0x179: {  	[tilespmem:v13+s26+$0x0] =	vst.idx.msk $0xffff, v6;
	v6 =	vmin.f32 v8, v4  }
0x17a: {  	[tilespmem:v13+s28+$0x0] =	vst.idx.msk $0xffff, v6;
	v6 =	vmin.f32 v10, v3  }
0x17b: {  	[tilespmem:v13+s29+$0x0] =	vst.idx.msk $0xffff, v6  }
0x17c: {  	v6 =	vld.idx.msk [tilespmem:v13+s25+$0x0], $0xffff  }
0x17d: {  	v7 =	vld.idx.msk [tilespmem:v13+s26+$0x0], $0xffff  }
0x17e: {  	v8 =	vld.idx.msk [tilespmem:v13+s28+$0x0], $0xffff  }
0x17f: {  	v9 =	vld.idx.msk [tilespmem:v13+s29+$0x0], $0xffff;
	_ =	sdelay $0x2  }
0x180: {  	v10 =	vmin.f32 v6, v2;
	vm2 =	vlt.f32 v2, v6  }
0x181: {  	v6 =	vmin.f32 v7, v5;
	vm3 =	vlt.f32 v5, v7  }
0x182: {  	vm4 =	vlt.f32 v4, v8  }
0x183: {  	vm5 =	vlt.f32 v3, v9;
	_ =	sdelay $0x2  }
0x184: {  	s5 =	sadd.s32 $0x20, s5;
	[tilespmem:v13+s25+$0x0] =	vst.idx.msk vm2, v10  }
0x185: {  	[tilespmem:v13+s26+$0x0] =	vst.idx.msk vm3, v6;
	v6 =	vmin.f32 v8, v4  }
0x186: {  	[tilespmem:v13+s28+$0x0] =	vst.idx.msk vm4, v6;
	v6 =	vmin.f32 v9, v3  }
0x187: {  	[tilespmem:v13+s29+$0x0] =	vst.idx.msk vm5, v6  }
0x188: {  	v11 =	vld [tilespmem:s20+$0x0];
	s20 =	smov.u32 s5  }
.Ltmp7:
0x189: {  	v6 =	vld [tilespmem:s1+$0x0];
	(pc) =	sbr.rel @p0 .LBB2_11-.Ltmp7, $4  }
0x18a: {  	v7 =	vld.idx.msk [tilespmem:v13+s25+$0x0], $0xffff  }
0x18b: {  	s1 =	sadd.s32 $0x20, s1;
	v10 =	vld.idx.msk [tilespmem:v13+s26+$0x0], $0xffff  }
0x18c: {  	v8 =	vld.idx.msk [tilespmem:v13+s28+$0x0], $0xffff  }
0x18d: {  	v9 =	vld.idx.msk [tilespmem:v13+s29+$0x0], $0xffff  }
0x18e: {  	_ =	sdelay $0x3  }
0x18f: {  	v12 =	vld.idx.msk [tilespmem:v11+s3+$0x0], $0xffff  }
0x190: {  	v13 =	vld.idx.msk [tilespmem:v6+s25+$0x0], $0xffff  }
0x191: {  	v14 =	vld.idx.msk [tilespmem:v6+s26+$0x0], $0xffff  }
0x192: {  	v15 =	vld.idx.msk [tilespmem:v6+s28+$0x0], $0xffff  }
0x193: {  	v16 =	vld.idx.msk [tilespmem:v6+s29+$0x0], $0xffff  }
0x194: {  	v17 =	vld.idx.msk [tilespmem:v11+s17+$0x0], $0xffff  }
0x195: {  	v18 =	vld.idx.msk [tilespmem:v11+s18+$0x0], $0xffff  }
0x196: {  	v11 =	vld.idx.msk [tilespmem:v11+s19+$0x0], $0xffff;
	_ =	sdelay $0x1  }
0x197: {  	v13 =	vmin.f32 v13, v12  }
0x198: {  	v36 =	vmin.f32 v14, v17;
	[tilespmem:v6+s25+$0x0] =	vst.idx.msk $0xffff, v13  }
0x199: {  	v37 =	vmin.f32 v15, v18;
	[tilespmem:v6+s26+$0x0] =	vst.idx.msk $0xffff, v36  }
0x19a: {  	v38 =	vmin.f32 v16, v11;
	[tilespmem:v6+s28+$0x0] =	vst.idx.msk $0xffff, v37  }
0x19b: {  	[tilespmem:v6+s29+$0x0] =	vst.idx.msk $0xffff, v38  }
0x19c: {  	v13 =	vld.idx.msk [tilespmem:v6+s25+$0x0], $0xffff  }
0x19d: {  	v39 =	vld.idx.msk [tilespmem:v6+s26+$0x0], $0xffff  }
0x19e: {  	v40 =	vld.idx.msk [tilespmem:v6+s28+$0x0], $0xffff  }
0x19f: {  	v41 =	vld.idx.msk [tilespmem:v6+s29+$0x0], $0xffff;
	_ =	sdelay $0x1  }
0x1a0: {  	vm2 =	vlt.f32 v12, v13  }
0x1a1: {  	vm3 =	vlt.f32 v17, v39  }
0x1a2: {  	vm4 =	vlt.f32 v18, v40  }
0x1a3: {  	vm5 =	vlt.f32 v11, v41;
	_ =	sdelay $0x1  }
0x1a4: {  	v13 =	vmin.f32 v13, v12  }
0x1a5: {  	v14 =	vmin.f32 v39, v17;
	[tilespmem:v6+s25+$0x0] =	vst.idx.msk vm2, v13  }
0x1a6: {  	v42 =	vmin.f32 v40, v18;
	[tilespmem:v6+s26+$0x0] =	vst.idx.msk vm3, v14  }
0x1a7: {  	v43 =	vmin.f32 v41, v11;
	[tilespmem:v6+s28+$0x0] =	vst.idx.msk vm4, v42  }
0x1a8: {  	[tilespmem:v6+s29+$0x0] =	vst.idx.msk vm5, v43  }
0x1a9: {  	v13 =	vld [tilespmem:s1+$0xFFFFFFF0];
	_ =	sdelay $0x2  }
0x1aa: {  	v14 =	vld [tilespmem:s5+$0xFFFFFFF0];
	_ =	sdelay $0x3  }
0x1ab: {  	v44 =	vld.idx.msk [tilespmem:v6+s25+$0x0], $0xffff  }
0x1ac: {  	v19 =	vld.idx.msk [tilespmem:v13+s29+$0x0], $0xffff  }
0x1ad: {  	v20 =	vld.idx.msk [tilespmem:v13+s26+$0x0], $0xffff  }
0x1ae: {  	v21 =	vld.idx.msk [tilespmem:v13+s28+$0x0], $0xffff  }
0x1af: {  	v22 =	vld.idx.msk [tilespmem:v14+s3+$0x0], $0xffff  }
0x1b0: {  	v23 =	vld.idx.msk [tilespmem:v13+s25+$0x0], $0xffff  }
0x1b1: {  	v24 =	vld.idx.msk [tilespmem:v14+s17+$0x0], $0xffff  }
0x1b2: {  	v25 =	vld.idx.msk [tilespmem:v14+s18+$0x0], $0xffff  }
0x1b3: {  	v14 =	vld.idx.msk [tilespmem:v14+s19+$0x0], $0xffff  }
0x1b4: {  	v45 =	vld.idx.msk [tilespmem:v6+s26+$0x0], $0xffff  }
0x1b5: {  	v26 =	vld.idx.msk [tilespmem:v6+s28+$0x0], $0xffff;
	v23 =	vmin.f32 v23, v22  }
0x1b6: {  	v46 =	vld.idx.msk [tilespmem:v6+s29+$0x0], $0xffff;
	v20 =	vmin.f32 v20, v24;
	[tilespmem:v13+s25+$0x0] =	vst.idx.msk $0xffff, v23  }
0x1b7: {  	v47 =	vmin.f32 v21, v25;
	[tilespmem:v13+s26+$0x0] =	vst.idx.msk $0xffff, v20  }
0x1b8: {  	v19 =	vmin.f32 v19, v14;
	[tilespmem:v13+s28+$0x0] =	vst.idx.msk $0xffff, v47  }
0x1b9: {  	[tilespmem:v13+s29+$0x0] =	vst.idx.msk $0xffff, v19  }
0x1ba: {  	v19 =	vld.idx.msk [tilespmem:v13+s25+$0x0], $0xffff  }
0x1bb: {  	v20 =	vld.idx.msk [tilespmem:v13+s26+$0x0], $0xffff  }
0x1bc: {  	v48 =	vld.idx.msk [tilespmem:v13+s28+$0x0], $0xffff  }
0x1bd: {  	v23 =	vld.idx.msk [tilespmem:v13+s29+$0x0], $0xffff;
	_ =	sdelay $0x1  }
0x1be: {  	vm2 =	vlt.f32 v22, v19  }
0x1bf: {  	vm3 =	vlt.f32 v24, v20  }
0x1c0: {  	vm9 =	vlt.f32 v25, v48  }
0x1c1: {  	vm10 =	vlt.f32 v14, v23;
	_ =	sdelay $0x1  }
0x1c2: {  	v19 =	vmin.f32 v19, v22  }
0x1c3: {  	v20 =	vmin.f32 v20, v24;
	[tilespmem:v13+s25+$0x0] =	vst.idx.msk vm2, v19  }
0x1c4: {  	v49 =	vmin.f32 v48, v25;
	[tilespmem:v13+s26+$0x0] =	vst.idx.msk vm3, v20  }
0x1c5: {  	v50 =	vmin.f32 v23, v14;
	[tilespmem:v13+s28+$0x0] =	vst.idx.msk vm9, v49  }
0x1c6: {  	[tilespmem:v13+s29+$0x0] =	vst.idx.msk vm10, v50  }
0x1c7: {  	v19 =	vld [tilespmem:s20+$0x0]  }
0x1c8: {  	v20 =	vld [tilespmem:s1+$0x0];
	_ =	sdelay $0x5  }
0x1c9: {  	v51 =	vld.idx.msk [tilespmem:v13+s25+$0x0], $0xffff  }
0x1ca: {  	v27 =	vld.idx.msk [tilespmem:v19+s3+$0x0], $0xffff  }
0x1cb: {  	v28 =	vld.idx.msk [tilespmem:v20+s25+$0x0], $0xffff  }
0x1cc: {  	v29 =	vld.idx.msk [tilespmem:v20+s26+$0x0], $0xffff  }
0x1cd: {  	v30 =	vld.idx.msk [tilespmem:v20+s28+$0x0], $0xffff  }
0x1ce: {  	v31 =	vld.idx.msk [tilespmem:v20+s29+$0x0], $0xffff  }
0x1cf: {  	v32 =	vld.idx.msk [tilespmem:v19+s17+$0x0], $0xffff  }
0x1d0: {  	v33 =	vld.idx.msk [tilespmem:v19+s18+$0x0], $0xffff  }
0x1d1: {  	v19 =	vld.idx.msk [tilespmem:v19+s19+$0x0], $0xffff  }
0x1d2: {  	v52 =	vld.idx.msk [tilespmem:v13+s26+$0x0], $0xffff  }
0x1d3: {  	v34 =	vld.idx.msk [tilespmem:v13+s28+$0x0], $0xffff;
	v28 =	vmin.f32 v28, v27  }
0x1d4: {  	v13 =	vld.idx.msk [tilespmem:v13+s29+$0x0], $0xffff;
	v53 =	vmin.f32 v29, v32;
	[tilespmem:v20+s25+$0x0] =	vst.idx.msk $0xffff, v28  }
0x1d5: {  	v54 =	vmin.f32 v30, v33;
	[tilespmem:v20+s26+$0x0] =	vst.idx.msk $0xffff, v53  }
0x1d6: {  	v55 =	vmin.f32 v31, v19;
	[tilespmem:v20+s28+$0x0] =	vst.idx.msk $0xffff, v54  }
0x1d7: {  	[tilespmem:v20+s29+$0x0] =	vst.idx.msk $0xffff, v55  }
0x1d8: {  	v28 =	vld.idx.msk [tilespmem:v20+s25+$0x0], $0xffff  }
0x1d9: {  	v56 =	vld.idx.msk [tilespmem:v20+s26+$0x0], $0xffff  }
0x1da: {  	v57 =	vld.idx.msk [tilespmem:v20+s28+$0x0], $0xffff  }
0x1db: {  	v58 =	vld.idx.msk [tilespmem:v20+s29+$0x0], $0xffff;
	_ =	sdelay $0x1  }
0x1dc: {  	vm2 =	vlt.f32 v27, v28  }
0x1dd: {  	vm3 =	vlt.f32 v32, v56  }
0x1de: {  	vm11 =	vlt.f32 v33, v57  }
0x1df: {  	vm12 =	vlt.f32 v19, v58;
	_ =	sdelay $0x1  }
0x1e0: {  	v28 =	vmin.f32 v28, v27  }
0x1e1: {  	v59 =	vmin.f32 v56, v32;
	[tilespmem:v20+s25+$0x0] =	vst.idx.msk vm2, v28  }
0x1e2: {  	v60 =	vmin.f32 v57, v33;
	[tilespmem:v20+s26+$0x0] =	vst.idx.msk vm3, v59  }
0x1e3: {  	v61 =	vmin.f32 v58, v19;
	[tilespmem:v20+s28+$0x0] =	vst.idx.msk vm11, v60  }
0x1e4: {  	vm13 =	vlt.f32 v4, v8;
	vm14 =	vlt.f32 v3, v9;
	[tilespmem:v20+s29+$0x0] =	vst.idx.msk vm12, v61  }
0x1e5: {  	vm6 =	vlt.f32 v17, v45;
	vm2 =	vlt.f32 v2, v7;
	vm3 =	vlt.f32 v5, v10;
	v2 =	vld.idx.msk [tilespmem:v20+s25+$0x0], $0xffff  }
0x1e6: {  	vm9 =	vlt.f32 v18, v26;
	vm15 =	vlt.f32 v22, v51;
	vm2 =	vmor vm2, vm3;
	v3 =	vld.idx.msk [tilespmem:v20+s26+$0x0], $0xffff  }
0x1e7: {  	vm7 =	vlt.f32 v24, v52;
	vm10 =	vlt.f32 v25, v34;
	vm2 =	vmor vm2, vm13;
	v62 =	vld.idx.msk [tilespmem:v20+s28+$0x0], $0xffff  }
0x1e8: {  	vm4 =	vmor vm15, vm7;
	vm3 =	vlt.f32 v12, v44;
	vm2 =	vmor vm2, vm14;
	v63 =	vld.idx.msk [tilespmem:v20+s29+$0x0], $0xffff  }
0x1e9: {  	vm4 =	vmor vm4, vm10;
	vm2 =	vmor vm2, vm3;
	vm3 =	vlt.f32 v14, v13  }
0x1ea: {  	vm13 =	vlt.f32 v11, v46;
	vm3 =	vmor vm4, vm3;
	vm11 =	vlt.f32 v27, v2  }
0x1eb: {  	vm2 =	vmor vm2, vm6;
	vm12 =	vlt.f32 v32, v3;
	vm3 =	vmor vm3, vm11  }
0x1ec: {  	vm2 =	vmor vm2, vm9;
	vm14 =	vlt.f32 v33, v62;
	vm3 =	vmor vm3, vm12  }
0x1ed: {  	vm2 =	vmor vm2, vm13;
	vm15 =	vlt.f32 v19, v63;
	vm3 =	vmor vm3, vm14  }
0x1ee: {  	vm1 =	vmor vm1, vm2;
	vm2 =	vmor vm3, vm15  }
0x1ef: {  	vm1 =	vmor vm1, vm2  }
0x1f0: {  	v2 =	vsel vm1, $0x3F800000, v1  }
0x1f1: {  	(xrf0) =	vmax.scan.msk.f32 $0xffff, v2;
	_ =	sdelay $0x5  }
0x1f2: {  	v2, _, _ =	vpop (xrf0)  }
0x1f3: {  	(v2sf) =	vpush v2, $0xF;
	_ =	sdelay $0xe  }
0x1f4: {  	s21 =	spop (v2sf)  }
0x1f5: {  	p0 =	sgt.f32 s21, $0.0e+00  }
.Ltmp8:
0x1f6: {  	_ = 	snop;
	(pc) =	sbr.rel @!p0 .LBB2_16-.Ltmp8, $4  }
.Ltmp9:
0x1f7: {  	_ = 	snop;
	(pc) =	sbr.rel @p0 .LBB2_13-.Ltmp9, $4  }
0x1f8: {  	_ = 	snop  }
0x1f9: {  	_ = 	snop  }
0x1fa: {  	s1 =	simm.s32 $0x0  }
0x1fb: {  	_ = 	snop  }
.LBB2_9:
0x1fc: {  	s5 =	sadd.s32 $0x1, s5  }
0x1fd: {  	p0 =	sne.s32 s5, $0x190  }
.Ltmp10:
0x1fe: {  	_ = 	snop;
	(pc) =	sbr.rel @!p0 .LBB2_10-.Ltmp10, $1  }
0x1ff: {  	_ =	sdelay $0x3  }
.LBB2_7:
0x200: {  	s6 =	sshll.u32 s5, $0x4  }
0x201: {  	v6 =	vld [tilespmem:s6+$0x13C00];
	_ =	sdelay $0x3  }
0x202: {  	v2 =	vld [tilespmem:s6+$0x15500];
	_ =	sdelay $0x3  }
0x203: {  	v3 =	vld.idx.msk [tilespmem:v6+s3+$0x0], $0xffff  }
0x204: {  	v4 =	vld.idx.msk [tilespmem:v6+s17+$0x0], $0xffff  }
0x205: {  	v5 =	vld.idx.msk [tilespmem:v6+s18+$0x0], $0xffff  }
0x206: {  	v6 =	vld.idx.msk [tilespmem:v6+s19+$0x0], $0xffff  }
0x207: {  	v10 =	vld.idx.msk [tilespmem:v2+s25+$0x0], $0xffff  }
0x208: {  	v9 =	vld.idx.msk [tilespmem:v2+s26+$0x0], $0xffff  }
0x209: {  	v8 =	vld.idx.msk [tilespmem:v2+s28+$0x0], $0xffff  }
0x20a: {  	v7 =	vld.idx.msk [tilespmem:v2+s29+$0x0], $0xffff;
	_ =	sdelay $0x2  }
0x20b: {  	vm1 =	vlt.f32 v3, v10;
	vm2 =	vlt.f32 v4, v9  }
0x20c: {  	vm3 =	vlt.f32 v5, v8;
	vm1 =	vmor vm1, vm2  }
0x20d: {  	vm2 =	vlt.f32 v6, v7;
	vm1 =	vmor vm1, vm3  }
0x20e: {  	vm1 =	vmor vm1, vm2  }
0x20f: {  	v11 =	vsel vm1, $0x3F800000, v1  }
0x210: {  	(xrf0) =	vmax.scan.msk.f32 $0xffff, v11;
	_ =	sdelay $0x5  }
0x211: {  	v11, _, _ =	vpop (xrf0)  }
0x212: {  	(v2sf) =	vpush v11, $0xF;
	_ =	sdelay $0xe  }
0x213: {  	s21 =	spop (v2sf)  }
0x214: {  	p0 =	sgt.f32 s21, $0.0e+00  }
.Ltmp11:
0x215: {  	_ = 	snop;
	(pc) =	sbr.rel @!p0 .LBB2_9-.Ltmp11, $1  }
0x216: {  	_ =	sdelay $0x3  }
.LBB2_8:
0x217: {  	v10 =	vmin.f32 v10, v3  }
0x218: {  	v9 =	vmin.f32 v9, v4;
	[tilespmem:v2+s25+$0x0] =	vst.idx.msk vm1, v10  }
0x219: {  	v8 =	vmin.f32 v8, v5;
	[tilespmem:v2+s26+$0x0] =	vst.idx.msk vm1, v9  }
0x21a: {  	v7 =	vmin.f32 v7, v6;
	[tilespmem:v2+s28+$0x0] =	vst.idx.msk vm1, v8  }
0x21b: {  	[tilespmem:v2+s29+$0x0] =	vst.idx.msk vm1, v7  }
0x21c: {  	v10 =	vld.idx.msk [tilespmem:v2+s25+$0x0], $0xffff  }
0x21d: {  	v9 =	vld.idx.msk [tilespmem:v2+s26+$0x0], $0xffff  }
0x21e: {  	v8 =	vld.idx.msk [tilespmem:v2+s28+$0x0], $0xffff  }
0x21f: {  	v7 =	vld.idx.msk [tilespmem:v2+s29+$0x0], $0xffff;
	_ =	sdelay $0x2  }
0x220: {  	vm2 =	vle.f32 v10, v3;
	vm3 =	vle.f32 v9, v4  }
0x221: {  	vm4 =	vle.f32 v8, v5;
	vm2 =	vmneg vm2;
	vm3 =	vmneg vm3  }
0x222: {  	vm5 =	vle.f32 v7, v6;
	vm4 =	vmneg vm4;
	vm2 =	vmor vm2, vm3  }
0x223: {  	vm3 =	vmneg vm5;
	vm2 =	vmor vm2, vm4  }
0x224: {  	vm2 =	vmor vm2, vm3  }
0x225: {  	vm1 =	vmand vm1, vm2  }
0x226: {  	v11 =	vsel vm1, $0x3F800000, v1  }
0x227: {  	(xrf0) =	vmax.scan.msk.f32 $0xffff, v11;
	_ =	sdelay $0x5  }
0x228: {  	v11, _, _ =	vpop (xrf0)  }
0x229: {  	(v2sf) =	vpush v11, $0xF;
	_ =	sdelay $0xe  }
0x22a: {  	s6 =	spop (v2sf)  }
0x22b: {  	p0 =	sgt.f32 s6, $0.0e+00  }
.Ltmp12:
0x22c: {  	_ = 	snop;
	(pc) =	sbr.rel @p0 .LBB2_8-.Ltmp12, $1  }
0x22d: {  	_ =	sdelay $0x3  }
.Ltmp13:
0x22e: {  	_ = 	snop;
	(pc) =	sbr.rel .LBB2_9-.Ltmp13, $1  }
0x22f: {  	_ =	sdelay $0x3  }
.LBB2_15:
0x230: {  	s1 =	sadd.s32 $0x1, s1  }
0x231: {  	p0 =	sne.s32 s1, $0x190  }
.Ltmp14:
0x232: {  	_ = 	snop;
	(pc) =	sbr.rel @!p0 .LBB2_16-.Ltmp14, $1  }
0x233: {  	_ =	sdelay $0x3  }
.LBB2_13:
0x234: {  	s5 =	sshll.u32 s1, $0x4  }
0x235: {  	v6 =	vld [tilespmem:s5+$0x16E00];
	_ =	sdelay $0x3  }
0x236: {  	v2 =	vld [tilespmem:s5+$0x18700];
	_ =	sdelay $0x3  }
0x237: {  	v3 =	vld.idx.msk [tilespmem:v6+s3+$0x0], $0xffff  }
0x238: {  	v4 =	vld.idx.msk [tilespmem:v6+s17+$0x0], $0xffff  }
0x239: {  	v5 =	vld.idx.msk [tilespmem:v6+s18+$0x0], $0xffff  }
0x23a: {  	v6 =	vld.idx.msk [tilespmem:v6+s19+$0x0], $0xffff  }
0x23b: {  	v10 =	vld.idx.msk [tilespmem:v2+s25+$0x0], $0xffff  }
0x23c: {  	v9 =	vld.idx.msk [tilespmem:v2+s26+$0x0], $0xffff  }
0x23d: {  	v8 =	vld.idx.msk [tilespmem:v2+s28+$0x0], $0xffff  }
0x23e: {  	v7 =	vld.idx.msk [tilespmem:v2+s29+$0x0], $0xffff;
	_ =	sdelay $0x2  }
0x23f: {  	vm1 =	vlt.f32 v3, v10;
	vm2 =	vlt.f32 v4, v9  }
0x240: {  	vm3 =	vlt.f32 v5, v8;
	vm1 =	vmor vm1, vm2  }
0x241: {  	vm2 =	vlt.f32 v6, v7;
	vm1 =	vmor vm1, vm3  }
0x242: {  	vm1 =	vmor vm1, vm2  }
0x243: {  	v11 =	vsel vm1, $0x3F800000, v1  }
0x244: {  	(xrf0) =	vmax.scan.msk.f32 $0xffff, v11;
	_ =	sdelay $0x5  }
0x245: {  	v11, _, _ =	vpop (xrf0)  }
0x246: {  	(v2sf) =	vpush v11, $0xF;
	_ =	sdelay $0xe  }
0x247: {  	s21 =	spop (v2sf)  }
0x248: {  	p0 =	sgt.f32 s21, $0.0e+00  }
.Ltmp15:
0x249: {  	_ = 	snop;
	(pc) =	sbr.rel @!p0 .LBB2_15-.Ltmp15, $1  }
0x24a: {  	_ =	sdelay $0x3  }
.LBB2_14:
0x24b: {  	v10 =	vmin.f32 v10, v3  }
0x24c: {  	v9 =	vmin.f32 v9, v4;
	[tilespmem:v2+s25+$0x0] =	vst.idx.msk vm1, v10  }
0x24d: {  	v8 =	vmin.f32 v8, v5;
	[tilespmem:v2+s26+$0x0] =	vst.idx.msk vm1, v9  }
0x24e: {  	v7 =	vmin.f32 v7, v6;
	[tilespmem:v2+s28+$0x0] =	vst.idx.msk vm1, v8  }
0x24f: {  	[tilespmem:v2+s29+$0x0] =	vst.idx.msk vm1, v7  }
0x250: {  	v10 =	vld.idx.msk [tilespmem:v2+s25+$0x0], $0xffff  }
0x251: {  	v9 =	vld.idx.msk [tilespmem:v2+s26+$0x0], $0xffff  }
0x252: {  	v8 =	vld.idx.msk [tilespmem:v2+s28+$0x0], $0xffff  }
0x253: {  	v7 =	vld.idx.msk [tilespmem:v2+s29+$0x0], $0xffff;
	_ =	sdelay $0x2  }
0x254: {  	vm2 =	vle.f32 v10, v3;
	vm3 =	vle.f32 v9, v4  }
0x255: {  	vm4 =	vle.f32 v8, v5;
	vm2 =	vmneg vm2;
	vm3 =	vmneg vm3  }
0x256: {  	vm5 =	vle.f32 v7, v6;
	vm4 =	vmneg vm4;
	vm2 =	vmor vm2, vm3  }
0x257: {  	vm3 =	vmneg vm5;
	vm2 =	vmor vm2, vm4  }
0x258: {  	vm2 =	vmor vm2, vm3  }
0x259: {  	vm1 =	vmand vm1, vm2  }
0x25a: {  	v11 =	vsel vm1, $0x3F800000, v1  }
0x25b: {  	(xrf0) =	vmax.scan.msk.f32 $0xffff, v11;
	_ =	sdelay $0x5  }
0x25c: {  	v11, _, _ =	vpop (xrf0)  }
0x25d: {  	(v2sf) =	vpush v11, $0xF;
	_ =	sdelay $0xe  }
0x25e: {  	s5 =	spop (v2sf)  }
0x25f: {  	p0 =	sgt.f32 s5, $0.0e+00  }
.Ltmp16:
0x260: {  	_ = 	snop;
	(pc) =	sbr.rel @p0 .LBB2_14-.Ltmp16, $1  }
0x261: {  	_ =	sdelay $0x3  }
.Ltmp17:
0x262: {  	_ = 	snop;
	(pc) =	sbr.rel .LBB2_15-.Ltmp17, $1  }
0x263: {  	_ =	sdelay $0x3  }
.LBB2_18:
0x264: {  	_ =	sfence.sel $0x180000  }
0x265: {  	[bflag:$0x0] =	sbarrier.arrive $0xFFFF  }
0x266: {  	_ =	strace $0x90000047  }
0x267: {  	s0 =	stileid.u32;
	[bflag:$0x2] =	sbarrier.arrive $0xFFFF  }
0x268: {  	p0 =	sne.s32 s0, $0x0;
	s0 =	rddreg [dreg:$0x2]  }
0x269: {  	s0 =	sadd.s32 @!p0 $0x100000, s0  }
0x26a: {  	[sflag:s0] =	ssyncadd.tile.s32 @!p0 $0x1;
	_ =	shalt  }
.Lfunc_end2:
_tile_overlayer_lowered:
.L_overlay_start_2:
0x26b: {  	(tag) =	ssettag $0x2  }
0x26c: {  	s0 =	rddreg [dreg:$0x0];
	s2 =	stileid.u32  }
0x26d: {  	s1 =	rddreg [dreg:$0x1];
	p0 =	sne.s32 s2, $0x0  }
0x26e: {  	s3 =	rddreg [dreg:$0x2];
	[bflag:$0x3] =	sbarrier.arrive $0xFFFF;
	s2 =	simm.s32 @!p0 $0x1C03  }
0x26f: {  	[timem:s3], [sflag:s2] =	dma.local @!p0 [hbm:s0], s1  }
0x270: {  	s0 =	simm.s32 @!p0 $0x3  }
0x271: {  	_ =	swait.ge @!p0 [sflag:s0], s1  }
0x272: {  	s1 =	ssub.s32 @!p0 $0x0, s1;
	[sflag:s0] =	ssyncset.done @!p0 $0x0  }
0x273: {  	[sflag:s0] =	ssyncadd.s32 @!p0 s1  }
0x274: {  	[bflag:$0x3] =	sbarrier.arrive $0xFFFF  }
0x275: {  	_ =	shalt  }

</sc_bundles>
